<compile_context>
chip_gen: v7x
topology: tpu7x:2x2x1
jax: 0.10.2.dev20260603
libtpu: 0.0.44.dev20260713+nightly
codegen_flags: <defaults>
</compile_context>

<pallas_src>
import jax
import jax.numpy as jnp
from jax.experimental import pallas as pl
from jax.experimental.pallas import tpu as pltpu
from jax.experimental.pallas import tpu_sc as plsc

B = 4096
D = 384
N = 100000
S = 256
K = 3
W_STRUCT = 0.3
REL_THRESH = 0.1

BK = 1024
BQ = 2048
NQ = B // BQ
NK = (N + BK - 1) // BK
NG = BK // 128
NKP = NK * BK
NEG = -1.0e30
PACK = (BQ // 128, 128)


_BN = 2048


def _norm_kernel(k_ref, o_ref):
    i = pl.program_id(0)
    kb = k_ref[...]
    nrm = jnp.sqrt(jnp.sum(kb * kb, axis=1, keepdims=True))
    kn = (kb / (nrm + 1e-12)).astype(jnp.bfloat16)
    row = jax.lax.broadcasted_iota(jnp.int32, (_BN, 1), 0) + i * _BN
    kn = jnp.where(row < N, kn, jnp.bfloat16(0))
    o_ref[...] = kn.T


def _normalize_keys(te):
    return pl.pallas_call(
        _norm_kernel,
        grid=(NKP // _BN,),
        in_specs=[pl.BlockSpec((_BN, D), lambda i: (i, 0))],
        out_specs=pl.BlockSpec((D, _BN), lambda i: (0, i)),
        out_shape=jax.ShapeDtypeStruct((D, NKP), jnp.bfloat16),
    )(te)


def _pack(x):
    return x.reshape(PACK)


def _topk_kernel(q_ref, kn_ref, w_ref, idx_ref, qn_ref,
                 t0_ref, t1_ref, t2_ref, g0_ref, g1_ref, g2_ref):
    kblk = pl.program_id(1)

    @pl.when(kblk == 0)
    def _():
        q = q_ref[...]
        qn = q / (jnp.sqrt(jnp.sum(q * q, axis=1, keepdims=True)) + 1e-12)
        qn_ref[...] = qn.astype(jnp.bfloat16)
        t0_ref[...] = jnp.full((BQ, 128), NEG, jnp.float32)
        t1_ref[...] = jnp.full((BQ, 128), NEG, jnp.float32)
        t2_ref[...] = jnp.full((BQ, 128), NEG, jnp.float32)
        g0_ref[...] = jnp.zeros((BQ, 128), jnp.int32)
        g1_ref[...] = jnp.zeros((BQ, 128), jnp.int32)
        g2_ref[...] = jnp.zeros((BQ, 128), jnp.int32)

    kn = kn_ref[...]
    s = jax.lax.dot_general(qn_ref[...], kn, (((1,), (0,)), ((), ())),
                            preferred_element_type=jnp.float32)

    liota = jax.lax.broadcasted_iota(jnp.int32, (BQ, 128), 1)

    t0, t1, t2 = t0_ref[...], t1_ref[...], t2_ref[...]
    g0, g1, g2 = g0_ref[...], g1_ref[...], g2_ref[...]
    for g in range(NG):
        x = s[:, g * 128:(g + 1) * 128]
        gid = kblk * NG + g
        c0 = x > t0
        nx = jnp.where(c0, t0, x)
        ng = jnp.where(c0, g0, gid)
        t0 = jnp.where(c0, x, t0)
        g0 = jnp.where(c0, gid, g0)
        c1 = nx > t1
        nx2 = jnp.where(c1, t1, nx)
        ng2 = jnp.where(c1, g1, ng)
        t1 = jnp.where(c1, nx, t1)
        g1 = jnp.where(c1, ng, g1)
        c2 = nx2 > t2
        t2 = jnp.where(c2, nx2, t2)
        g2 = jnp.where(c2, ng2, g2)
    t0_ref[...], t1_ref[...], t2_ref[...] = t0, t1, t2
    g0_ref[...], g1_ref[...], g2_ref[...] = g0, g1, g2

    @pl.when(kblk == NK - 1)
    def _():
        t0, t1, t2 = t0_ref[...], t1_ref[...], t2_ref[...]
        g0, g1, g2 = g0_ref[...], g1_ref[...], g2_ref[...]
        cand = jnp.concatenate([t0, t1, t2], axis=1)
        cidx = (jnp.concatenate([g0, g1, g2], axis=1) * 128
                + jnp.concatenate([liota, liota, liota], axis=1))
        ei = jax.lax.broadcasted_iota(jnp.int32, (BQ, K * 128), 1)
        vs, is_ = [], []
        for j in range(K):
            m = jnp.max(cand, axis=1, keepdims=True)
            p = jnp.min(jnp.where(cand == m, ei, K * 128), axis=1,
                        keepdims=True)
            onp = ei == p
            ii = jnp.max(jnp.where(onp, cidx, -1), axis=1, keepdims=True)
            ii = jnp.minimum(ii, N - 1)
            vs.append(_pack(m))
            is_.append(_pack(ii))
            if j < K - 1:
                cand = jnp.where(onp, NEG, cand)
        ms = [jnp.where(v > REL_THRESH, v, 0.0) for v in vs]
        ssum = ms[0] + ms[1] + ms[2] + 1e-8
        for j in range(K):
            w_ref[j, :, :] = ms[j] / ssum
            idx_ref[j, :, :] = is_[j]


def _topk(q, kn16):
    return pl.pallas_call(
        _topk_kernel,
        grid=(NQ, NK),
        in_specs=[
            pl.BlockSpec((BQ, D), lambda i, k: (i, 0)),
            pl.BlockSpec((D, BK), lambda i, k: (0, k)),
        ],
        out_specs=[
            pl.BlockSpec((K, PACK[0], 128), lambda i, k: (0, i, 0)),
            pl.BlockSpec((K, PACK[0], 128), lambda i, k: (0, i, 0)),
        ],
        out_shape=[
            jax.ShapeDtypeStruct((K, B // 128, 128), jnp.float32),
            jax.ShapeDtypeStruct((K, B // 128, 128), jnp.int32),
        ],
        scratch_shapes=[
            pltpu.VMEM((BQ, D), jnp.bfloat16),
            pltpu.VMEM((BQ, 128), jnp.float32),
            pltpu.VMEM((BQ, 128), jnp.float32),
            pltpu.VMEM((BQ, 128), jnp.float32),
            pltpu.VMEM((BQ, 128), jnp.int32),
            pltpu.VMEM((BQ, 128), jnp.int32),
            pltpu.VMEM((BQ, 128), jnp.int32),
        ],
    )(q, kn16)


_GATHER_WIN = 128


def _sc_gather(struct, idx_flat):
    n_idx = B * K

    @pl.kernel(
        out_type=jax.ShapeDtypeStruct((n_idx, S), jnp.float32),
        mesh=plsc.VectorSubcoreMesh(core_axis_name="core",
                                    subcore_axis_name="subcore"),
    )
    def _gather(x_hbm, i_hbm, o_hbm):
        def body(i_vmem, o_vmem):
            pltpu.sync_copy(x_hbm.at[i_vmem.at[0]], o_vmem)

        pltpu.emit_pipeline(
            body,
            grid=(n_idx // _GATHER_WIN,),
            in_specs=[pl.BlockSpec((1, _GATHER_WIN), lambda i: (0, i))],
            out_specs=[pl.BlockSpec((_GATHER_WIN, S), lambda i: (i, 0))],
            core_axis_name="subcore",
            dimension_semantics=(pltpu.PARALLEL,),
        )(i_hbm, o_hbm)

    return _gather(struct, idx_flat)


def _combine_kernel(w_ref, r0_ref, r1_ref, r2_ref, o_ref):
    w = w_ref[...]
    acc = (w[:, 0:1] * r0_ref[...] + w[:, 1:2] * r1_ref[...]
           + w[:, 2:3] * r2_ref[...])
    o_ref[...] = W_STRUCT * acc


def _combine(w, r0, r1, r2):
    bq = 1024
    return pl.pallas_call(
        _combine_kernel,
        grid=(B // bq,),
        in_specs=[
            pl.BlockSpec((bq, K), lambda i: (i, 0)),
            pl.BlockSpec((bq, S), lambda i: (i, 0)),
            pl.BlockSpec((bq, S), lambda i: (i, 0)),
            pl.BlockSpec((bq, S), lambda i: (i, 0)),
        ],
        out_specs=pl.BlockSpec((bq, S), lambda i: (i, 0)),
        out_shape=jax.ShapeDtypeStruct((B, S), jnp.float32),
    )(w, r0, r1, r2)


def kernel(sentence_embeddings, text_embeddings, structural_embeddings):
    kn16 = _normalize_keys(text_embeddings)
    wp, idxp = _topk(sentence_embeddings, kn16)
    idx_flat = idxp.reshape(1, K * B)
    retrieved = _sc_gather(structural_embeddings, idx_flat)
    r = retrieved.reshape(K, B, S)
    w = jnp.concatenate([wp[j].reshape(B, 1) for j in range(K)], axis=1)
    struct_ctx = _combine(w, r[0], r[1], r[2])
    return jnp.concatenate([sentence_embeddings, struct_ctx], axis=-1)

# --- scband reference (transcript-rebuilt; emitter-appended) ---
"""Pipeline reference for scband-ontology-fusion-module-50869592655363 (READ-ONLY COPY).

The authoritative reference and input builder live on the scoring server;
editing this copy changes nothing except your own understanding.
"""

import jax, jax.numpy as jnp
import numpy as np

TOP_K = 3
STRUCTURAL_WEIGHT = 0.3
RELEVANCE_THRESHOLD = 0.1


def setup_inputs(seed: int = 0) -> dict:
    key = jax.random.key(seed)
    k1, k2, k3 = jax.random.split(key, 3)
    sentence_embeddings = jax.random.normal(k1, (4096, 384), dtype=jnp.float32)
    text_embeddings = jax.random.normal(k2, (100000, 384), dtype=jnp.float32)
    structural_embeddings = jax.random.normal(k3, (100000, 256), dtype=jnp.float32)
    return {
        "sentence_embeddings": sentence_embeddings,
        "text_embeddings": text_embeddings,
        "structural_embeddings": structural_embeddings,
    }


def reference(sentence_embeddings, text_embeddings, structural_embeddings):
    # Cosine similarity between pooled sentence embeddings and ontology text embeddings
    qn = sentence_embeddings / (jnp.linalg.norm(sentence_embeddings, axis=-1, keepdims=True) + 1e-12)
    kn = text_embeddings / (jnp.linalg.norm(text_embeddings, axis=-1, keepdims=True) + 1e-12)
    sim = qn @ kn.T  # [B, K]
    # Retrieve top-k matching ontology concepts per sentence
    vals, idx = jax.lax.top_k(sim, TOP_K)  # [B, top_k]
    # Relevance thresholding: ignore matches below the relevance threshold
    masked = jnp.where(vals > RELEVANCE_THRESHOLD, vals, 0.0)
    w = masked / (jnp.sum(masked, axis=-1, keepdims=True) + 1e-8)  # [B, top_k]
    # Gather structural embeddings of matched concepts and average by relevance weight
    retrieved = jnp.take(structural_embeddings, idx, axis=0)  # [B, top_k, S]
    struct_ctx = jnp.sum(w[..., None] * retrieved, axis=1)  # [B, S]
    # fusion_method == 'concat' (preserve_dimensions=False): concat text emb with weighted structural context
    out = jnp.concatenate([sentence_embeddings, STRUCTURAL_WEIGHT * struct_ctx], axis=-1)  # [B, D+S]
    return out

if __name__ == "__main__":
    import jax
    _d = setup_inputs()
    print(jax.jit(kernel)(*tuple(_d.values())))

</pallas_src>

<mosaic_0001>
#map = affine_map<(d0, d1) -> (0, 0)>
module attributes {stable_mosaic.version = 14 : i64} {
  func.func @_gather(%arg0: i32, %arg1: i32, %arg2: memref<100000x256xf32, #tpu.memory_space<hbm>>, %arg3: memref<1x12288xi32, #tpu.memory_space<hbm>>, %arg4: memref<12288x256xf32, #tpu.memory_space<hbm>>) attributes {dimension_semantics = [#tpu.dimension_semantics<core_parallel>, #tpu.dimension_semantics<subcore_parallel>], iteration_bounds = array<i64: 2, 16>, scalar_prefetch = 0 : i64, scratch_operands = 0 : i64, tpu.core_type = #tpu.core_type<sc_vector_subcore>, window_params = [{transform_indices = #map}, {transform_indices = #map}, {transform_indices = #map}]} {
    %mul3A = arith.constant 6 : i32
    %mul3A_0 = arith.muli %arg1, %mul3A : i32
    "tpu.region"() ({
      %run_scoped3A = memref.alloca() : memref<2x1x128xi32, #tpu.memory_space<vmem>>
      %run_scoped3A_1 = tpu.sem_alloc : memref<2x!tpu.dma_semaphore, #tpu.memory_space<semaphore_mem>>
      %run_scoped3A_2 = memref.alloca() : memref<2x128x256xf32, #tpu.memory_space<vmem>>
      %run_scoped3A_3 = tpu.sem_alloc : memref<2x!tpu.dma_semaphore, #tpu.memory_space<semaphore_mem>>
      %add3A = arith.constant 0 : i32
      %add3A_4 = arith.addi %add3A, %mul3A_0 : i32
      %select_n3A = arith.constant true
      %select_n3A_5 = arith.constant 0 : i32
      %select_n3A_6 = arith.constant -1 : i32
      %select_n3A_7 = arith.select %select_n3A, %select_n3A_6, %select_n3A_5 : i32
      %eq3A = arith.constant -1 : i32
      %eq3A_8 = arith.cmpi eq, %select_n3A_7, %eq3A : i32
      %select_n3A_9 = arith.constant 5 : i32
      %select_n3A_10 = arith.select %eq3A_8, %select_n3A_9, %select_n3A_7 : i32
      %add3A_11 = arith.addi %select_n3A_10, %mul3A_0 : i32
      %select_n3A_12 = arith.constant true
      %select_n3A_13 = arith.constant 0 : i32
      %select_n3A_14 = arith.constant 1 : i32
      %select_n3A_15 = arith.select %select_n3A_12, %select_n3A_14, %select_n3A_13 : i32
      %eq3A_16 = arith.constant 6 : i32
      %eq3A_17 = arith.cmpi eq, %select_n3A_15, %eq3A_16 : i32
      %select_n3A_18 = arith.constant 0 : i32
      %select_n3A_19 = arith.select %eq3A_17, %select_n3A_18, %select_n3A_15 : i32
      %add3A_20 = arith.addi %select_n3A_19, %mul3A_0 : i32
      %add3A_21 = arith.constant 1 : i32
      %add3A_22 = arith.addi %select_n3A_19, %add3A_21 : i32
      %select_n3A_23 = arith.constant true
      %select_n3A_24 = arith.select %select_n3A_23, %add3A_22, %select_n3A_19 : i32
      %eq3A_25 = arith.constant 6 : i32
      %eq3A_26 = arith.cmpi eq, %select_n3A_24, %eq3A_25 : i32
      %select_n3A_27 = arith.constant 0 : i32
      %select_n3A_28 = arith.select %eq3A_26, %select_n3A_27, %select_n3A_24 : i32
      %add3A_29 = arith.addi %select_n3A_28, %mul3A_0 : i32
      "tpu.trace_start"() <{level = 10 : i32, message = "ep_initialize_0"}> : () -> ()
      %rem3A = arith.constant 0 : i32
      %rem3A_30 = arith.constant 2 : i32
      %rem3A_31 = arith.remui %rem3A, %rem3A_30 : i32
      %mul3A_32 = arith.constant 128 : i32
      %mul3A_33 = arith.muli %mul3A_32, %add3A_4 : i32
      %dma_start3A = arith.constant 0 : i32
      %dma_start3A_34 = arith.constant 0 : i32
      %dma_start3A_35 = tpu.memref_slice %run_scoped3A[%rem3A_31, %dma_start3A, %dma_start3A_34] : memref<2x1x128xi32, #tpu.memory_space<vmem>> -> memref<1x1x128xi32, #tpu.memory_space<vmem>>
      %dma_start3A_36 = tpu.memref_squeeze %dma_start3A_35 : memref<1x1x128xi32, #tpu.memory_space<vmem>> -> memref<1x128xi32, #tpu.memory_space<vmem>>
      %dma_start3A_37 = arith.constant 0 : i32
      %dma_start3A_38 = tpu.memref_slice %arg3[%dma_start3A_37, %mul3A_33] : memref<1x12288xi32, #tpu.memory_space<hbm>> -> memref<1x128xi32, #tpu.memory_space<hbm>>
      %dma_start3A_39 = tpu.memref_slice %run_scoped3A_1[%rem3A_31] : memref<2x!tpu.dma_semaphore, #tpu.memory_space<semaphore_mem>> -> memref<1x!tpu.dma_semaphore, #tpu.memory_space<semaphore_mem>>
      %dma_start3A_40 = tpu.memref_squeeze %dma_start3A_39 : memref<1x!tpu.dma_semaphore, #tpu.memory_space<semaphore_mem>> -> memref<!tpu.dma_semaphore, #tpu.memory_space<semaphore_mem>>
      %dma_start3A_41 = arith.constant 0 : i32
      %dma_start3A_42 = arith.constant 0 : i32
      %dma_start3A_43 = tpu.memref_slice %run_scoped3A[%rem3A_31, %dma_start3A_41, %dma_start3A_42] : memref<2x1x128xi32, #tpu.memory_space<vmem>> -> memref<1x1x128xi32, #tpu.memory_space<vmem>>
      %dma_start3A_44 = tpu.memref_squeeze %dma_start3A_43 : memref<1x1x128xi32, #tpu.memory_space<vmem>> -> memref<1x128xi32, #tpu.memory_space<vmem>>
      %dma_start3A_45 = arith.constant 0 : i32
      %dma_start3A_46 = tpu.memref_slice %arg3[%dma_start3A_45, %mul3A_33] : memref<1x12288xi32, #tpu.memory_space<hbm>> -> memref<1x128xi32, #tpu.memory_space<hbm>>
      tpu.enqueue_dma source(%dma_start3A_46 : memref<1x128xi32, #tpu.memory_space<hbm>>) target(%dma_start3A_44 : memref<1x128xi32, #tpu.memory_space<vmem>>) target_semaphore(%dma_start3A_40 : memref<!tpu.dma_semaphore, #tpu.memory_space<semaphore_mem>>)
      %add3A_47 = arith.constant 0 : i32
      %add3A_48 = arith.constant 1 : i32
      %add3A_49 = arith.addi %add3A_47, %add3A_48 : i32
      %select_n3A_50 = arith.constant true
      %select_n3A_51 = arith.constant 0 : i32
      %select_n3A_52 = arith.select %select_n3A_50, %add3A_49, %select_n3A_51 : i32
      "tpu.trace_stop"() : () -> ()
      %scan3A = arith.constant 0 : i32
      %scan3A_53 = arith.constant 0 : i32
      %scan3A_54 = arith.constant 0 : i32
      %scan3A_55 = arith.constant 0 : i32
      %scan3A_56 = arith.constant 0 : i32
      %scan3A_57 = arith.constant 6 : i32
      %scan3A_58 = arith.addi %scan3A_56, %scan3A_57 : i32
      %scan3A_59 = arith.constant 1 : i32
      %scan3A_60:5 = scf.for %scan3A_114 = %scan3A_56 to %scan3A_58 step %scan3A_59 iter_args(%scan3A_115 = %select_n3A_52, %scan3A_116 = %scan3A, %scan3A_117 = %scan3A_53, %scan3A_118 = %scan3A_54, %scan3A_119 = %scan3A_55) -> (i32, i32, i32, i32, i32)  : i32 {
        %eq3A_120 = arith.constant 0 : i32
        %eq3A_121 = arith.cmpi eq, %scan3A_114, %eq3A_120 : i32
        %eq3A_122 = arith.constant 5 : i32
        %eq3A_123 = arith.cmpi eq, %scan3A_114, %eq3A_122 : i32
        %add3A_124 = arith.addi %scan3A_119, %mul3A_0 : i32
        %sub3A_125 = arith.constant 1 : i32
        %sub3A_126 = arith.subi %scan3A_119, %sub3A_125 : i32
        %select_n3A_127 = arith.constant true
        %select_n3A_128 = arith.select %select_n3A_127, %sub3A_126, %scan3A_119 : i32
        %eq3A_129 = arith.constant -1 : i32
        %eq3A_130 = arith.cmpi eq, %select_n3A_128, %eq3A_129 : i32
        %select_n3A_131 = arith.constant 5 : i32
        %select_n3A_132 = arith.select %eq3A_130, %select_n3A_131, %select_n3A_128 : i32
        %add3A_133 = arith.addi %select_n3A_132, %mul3A_0 : i32
        %add3A_134 = arith.constant 1 : i32
        %add3A_135 = arith.addi %scan3A_119, %add3A_134 : i32
        %select_n3A_136 = arith.constant true
        %select_n3A_137 = arith.select %select_n3A_136, %add3A_135, %scan3A_119 : i32
        %eq3A_138 = arith.constant 6 : i32
        %eq3A_139 = arith.cmpi eq, %select_n3A_137, %eq3A_138 : i32
        %select_n3A_140 = arith.constant 0 : i32
        %select_n3A_141 = arith.select %eq3A_139, %select_n3A_140, %select_n3A_137 : i32
        %add3A_142 = arith.addi %select_n3A_141, %mul3A_0 : i32
        %add3A_143 = arith.constant 1 : i32
        %add3A_144 = arith.addi %select_n3A_141, %add3A_143 : i32
        %select_n3A_145 = arith.constant true
        %select_n3A_146 = arith.select %select_n3A_145, %add3A_144, %select_n3A_141 : i32
        %eq3A_147 = arith.constant 6 : i32
        %eq3A_148 = arith.cmpi eq, %select_n3A_146, %eq3A_147 : i32
        %select_n3A_149 = arith.constant 0 : i32
        %select_n3A_150 = arith.select %eq3A_148, %select_n3A_149, %select_n3A_146 : i32
        %add3A_151 = arith.addi %select_n3A_150, %mul3A_0 : i32
        %ne3A = arith.cmpi ne, %add3A_124, %add3A_142 : i32
        %or3A = arith.constant false
        %or3A_152 = arith.ori %or3A, %ne3A : i1
        %ge3A = arith.constant 5 : i32
        %ge3A_153 = arith.cmpi sge, %scan3A_114, %ge3A : i32
        %not3A = arith.constant true
        %not3A_154 = arith.xori %ge3A_153, %not3A : i1
        %and3A = arith.andi %or3A_152, %not3A_154 : i1
        %convert_element_type3A = arith.extui %and3A : i1 to i32
        %cond3A = arith.constant 0 : i32
        %cond3A_155 = arith.cmpi ne, %convert_element_type3A, %cond3A : i32
        scf.if %cond3A_155 {
          "tpu.trace_start"() <{level = 10 : i32, message = "ep_copy_in"}> : () -> ()
          %rem3A_257 = arith.constant 2 : i32
          %rem3A_258 = arith.remui %scan3A_115, %rem3A_257 : i32
          %mul3A_259 = arith.constant 128 : i32
          %mul3A_260 = arith.muli %mul3A_259, %add3A_142 : i32
          %dma_start3A_261 = arith.constant 0 : i32
          %dma_start3A_262 = arith.constant 0 : i32
          %dma_start3A_263 = tpu.memref_slice %run_scoped3A[%rem3A_258, %dma_start3A_261, %dma_start3A_262] : memref<2x1x128xi32, #tpu.memory_space<vmem>> -> memref<1x1x128xi32, #tpu.memory_space<vmem>>
          %dma_start3A_264 = tpu.memref_squeeze %dma_start3A_263 : memref<1x1x128xi32, #tpu.memory_space<vmem>> -> memref<1x128xi32, #tpu.memory_space<vmem>>
          %dma_start3A_265 = arith.constant 0 : i32
          %dma_start3A_266 = tpu.memref_slice %arg3[%dma_start3A_265, %mul3A_260] : memref<1x12288xi32, #tpu.memory_space<hbm>> -> memref<1x128xi32, #tpu.memory_space<hbm>>
          %dma_start3A_267 = tpu.memref_slice %run_scoped3A_1[%rem3A_258] : memref<2x!tpu.dma_semaphore, #tpu.memory_space<semaphore_mem>> -> memref<1x!tpu.dma_semaphore, #tpu.memory_space<semaphore_mem>>
          %dma_start3A_268 = tpu.memref_squeeze %dma_start3A_267 : memref<1x!tpu.dma_semaphore, #tpu.memory_space<semaphore_mem>> -> memref<!tpu.dma_semaphore, #tpu.memory_space<semaphore_mem>>
          %dma_start3A_269 = arith.constant 0 : i32
          %dma_start3A_270 = arith.constant 0 : i32
          %dma_start3A_271 = tpu.memref_slice %run_scoped3A[%rem3A_258, %dma_start3A_269, %dma_start3A_270] : memref<2x1x128xi32, #tpu.memory_space<vmem>> -> memref<1x1x128xi32, #tpu.memory_space<vmem>>
          %dma_start3A_272 = tpu.memref_squeeze %dma_start3A_271 : memref<1x1x128xi32, #tpu.memory_space<vmem>> -> memref<1x128xi32, #tpu.memory_space<vmem>>
          %dma_start3A_273 = arith.constant 0 : i32
          %dma_start3A_274 = tpu.memref_slice %arg3[%dma_start3A_273, %mul3A_260] : memref<1x12288xi32, #tpu.memory_space<hbm>> -> memref<1x128xi32, #tpu.memory_space<hbm>>
          tpu.enqueue_dma source(%dma_start3A_274 : memref<1x128xi32, #tpu.memory_space<hbm>>) target(%dma_start3A_272 : memref<1x128xi32, #tpu.memory_space<vmem>>) target_semaphore(%dma_start3A_268 : memref<!tpu.dma_semaphore, #tpu.memory_space<semaphore_mem>>)
          "tpu.trace_stop"() : () -> ()
        } else {
        }
        %and3A_156 = arith.constant true
        %and3A_157 = arith.andi %and3A, %and3A_156 : i1
        %add3A_158 = arith.constant 1 : i32
        %add3A_159 = arith.addi %scan3A_115, %add3A_158 : i32
        %select_n3A_160 = arith.select %and3A_157, %add3A_159, %scan3A_115 : i32
        %ne3A_161 = arith.cmpi ne, %add3A_124, %add3A_142 : i32
        %or3A_162 = arith.constant false
        %or3A_163 = arith.ori %or3A_162, %ne3A_161 : i1
        %or3A_164 = arith.constant false
        %or3A_165 = arith.ori %or3A_163, %or3A_164 : i1
        %ge3A_166 = arith.constant 5 : i32
        %ge3A_167 = arith.cmpi sge, %scan3A_114, %ge3A_166 : i32
        %not3A_168 = arith.constant true
        %not3A_169 = arith.xori %ge3A_167, %not3A_168 : i1
        %and3A_170 = arith.andi %or3A_165, %not3A_169 : i1
        %ne3A_171 = arith.cmpi ne, %add3A_124, %add3A_133 : i32
        %or3A_172 = arith.constant false
        %or3A_173 = arith.ori %or3A_172, %ne3A_171 : i1
        %or3A_174 = arith.ori %or3A_173, %eq3A_121 : i1
        %convert_element_type3A_175 = arith.extui %or3A_174 : i1 to i32
        %cond3A_176 = arith.constant 0 : i32
        %cond3A_177 = arith.cmpi ne, %convert_element_type3A_175, %cond3A_176 : i32
        scf.if %cond3A_177 {
          "tpu.trace_start"() <{level = 10 : i32, message = "ep_wait_in"}> : () -> ()
          %mul3A_257 = arith.constant 128 : i32
          %mul3A_258 = arith.muli %mul3A_257, %add3A_124 : i32
          %rem3A_259 = arith.constant 2 : i32
          %rem3A_260 = arith.remui %scan3A_116, %rem3A_259 : i32
          %dma_wait3A_261 = arith.constant 0 : i32
          %dma_wait3A_262 = arith.constant 0 : i32
          %dma_wait3A_263 = tpu.memref_slice %run_scoped3A[%rem3A_260, %dma_wait3A_261, %dma_wait3A_262] : memref<2x1x128xi32, #tpu.memory_space<vmem>> -> memref<1x1x128xi32, #tpu.memory_space<vmem>>
          %dma_wait3A_264 = tpu.memref_squeeze %dma_wait3A_263 : memref<1x1x128xi32, #tpu.memory_space<vmem>> -> memref<1x128xi32, #tpu.memory_space<vmem>>
          %dma_wait3A_265 = arith.constant 0 : i32
          %dma_wait3A_266 = tpu.memref_slice %arg3[%dma_wait3A_265, %mul3A_258] : memref<1x12288xi32, #tpu.memory_space<hbm>> -> memref<1x128xi32, #tpu.memory_space<hbm>>
          %dma_wait3A_267 = tpu.memref_slice %run_scoped3A_1[%rem3A_260] : memref<2x!tpu.dma_semaphore, #tpu.memory_space<semaphore_mem>> -> memref<1x!tpu.dma_semaphore, #tpu.memory_space<semaphore_mem>>
          %dma_wait3A_268 = tpu.memref_squeeze %dma_wait3A_267 : memref<1x!tpu.dma_semaphore, #tpu.memory_space<semaphore_mem>> -> memref<!tpu.dma_semaphore, #tpu.memory_space<semaphore_mem>>
          %dma_wait3A_269 = arith.constant 0 : i32
          %dma_wait3A_270 = arith.constant 0 : i32
          %dma_wait3A_271 = tpu.memref_slice %run_scoped3A[%rem3A_260, %dma_wait3A_269, %dma_wait3A_270] : memref<2x1x128xi32, #tpu.memory_space<vmem>> -> memref<1x1x128xi32, #tpu.memory_space<vmem>>
          %dma_wait3A_272 = tpu.memref_squeeze %dma_wait3A_271 : memref<1x1x128xi32, #tpu.memory_space<vmem>> -> memref<1x128xi32, #tpu.memory_space<vmem>>
          %dma_wait3A_273 = arith.constant 0 : i32
          %dma_wait3A_274 = tpu.memref_slice %arg3[%dma_wait3A_273, %mul3A_258] : memref<1x12288xi32, #tpu.memory_space<hbm>> -> memref<1x128xi32, #tpu.memory_space<hbm>>
          tpu.wait_dma2 semaphore(%dma_wait3A_268 : memref<!tpu.dma_semaphore, #tpu.memory_space<semaphore_mem>>) src(%dma_wait3A_274 : memref<1x128xi32, #tpu.memory_space<hbm>>) dst(%dma_wait3A_272 : memref<1x128xi32, #tpu.memory_space<vmem>>)
          "tpu.trace_stop"() : () -> ()
        } else {
        }
        %ne3A_178 = arith.cmpi ne, %add3A_124, %add3A_133 : i32
        %or3A_179 = arith.constant false
        %or3A_180 = arith.ori %or3A_179, %ne3A_178 : i1
        %or3A_181 = arith.constant false
        %or3A_182 = arith.ori %or3A_180, %or3A_181 : i1
        %or3A_183 = arith.ori %or3A_182, %eq3A_121 : i1
        %convert_element_type3A_184 = arith.extui %or3A_183 : i1 to i32
        %cond3A_185 = arith.constant 0 : i32
        %cond3A_186 = arith.cmpi ne, %convert_element_type3A_184, %cond3A_185 : i32
        scf.if %cond3A_186 {
        } else {
        }
        %rem3A_187 = arith.constant 2 : i32
        %rem3A_188 = arith.remui %scan3A_116, %rem3A_187 : i32
        %rem3A_189 = arith.constant 2 : i32
        %rem3A_190 = arith.remui %scan3A_117, %rem3A_189 : i32
        %run_scoped3A_191 = arith.constant 0 : i32
        "tpu.trace_start"() <{level = 10 : i32, message = "ep_run_kernel"}> : () -> ()
        "tpu.region"() ({
          %run_scoped3A_257 = tpu.sem_alloc : memref<!tpu.dma_semaphore, #tpu.memory_space<semaphore_mem>>
          %dma_start3A_258 = arith.constant 0 : i32
          %dma_start3A_259 = arith.constant 0 : i32
          %dma_start3A_260 = tpu.memref_slice %run_scoped3A_2[%rem3A_190, %dma_start3A_258, %dma_start3A_259] : memref<2x128x256xf32, #tpu.memory_space<vmem>> -> memref<1x128x256xf32, #tpu.memory_space<vmem>>
          %dma_start3A_261 = tpu.memref_squeeze %dma_start3A_260 : memref<1x128x256xf32, #tpu.memory_space<vmem>> -> memref<128x256xf32, #tpu.memory_space<vmem>>
          %dma_start3A_262 = arith.constant 0 : i32
          %dma_start3A_263 = arith.constant 0 : i32
          %dma_start3A_264 = tpu.memref_slice %run_scoped3A[%rem3A_188, %dma_start3A_262, %dma_start3A_263] : memref<2x1x128xi32, #tpu.memory_space<vmem>> -> memref<1x1x128xi32, #tpu.memory_space<vmem>>
          %dma_start3A_265 = tpu.memref_squeeze %dma_start3A_264 : memref<1x1x128xi32, #tpu.memory_space<vmem>> -> memref<1x128xi32, #tpu.memory_space<vmem>>
          %dma_start3A_266 = arith.constant 0 : i32
          %dma_start3A_267 = tpu.memref_slice %dma_start3A_265[%run_scoped3A_191, %dma_start3A_266] : memref<1x128xi32, #tpu.memory_space<vmem>> -> memref<1x128xi32, #tpu.memory_space<vmem>>
          %dma_start3A_268 = tpu.memref_squeeze %dma_start3A_267 : memref<1x128xi32, #tpu.memory_space<vmem>> -> memref<128xi32, #tpu.memory_space<vmem>>
          %dma_start3A_269 = arith.constant 0 : i32
          %dma_start3A_270 = arith.constant 0 : i32
          %dma_start3A_271 = tpu.memref_slice %arg2[%dma_start3A_269, %dma_start3A_270] : memref<100000x256xf32, #tpu.memory_space<hbm>> -> memref<100000x256xf32, #tpu.memory_space<hbm>>
          tpu.enqueue_indirect_dma source(%dma_start3A_271 : memref<100000x256xf32, #tpu.memory_space<hbm>>) target(%dma_start3A_261 : memref<128x256xf32, #tpu.memory_space<vmem>>) offsets(%dma_start3A_268 : memref<128xi32, #tpu.memory_space<vmem>>) semaphore(%run_scoped3A_257 : memref<!tpu.dma_semaphore, #tpu.memory_space<semaphore_mem>>)
          %dma_wait3A_272 = arith.constant 0 : i32
          %dma_wait3A_273 = arith.constant 0 : i32
          %dma_wait3A_274 = tpu.memref_slice %run_scoped3A_2[%rem3A_190, %dma_wait3A_272, %dma_wait3A_273] : memref<2x128x256xf32, #tpu.memory_space<vmem>> -> memref<1x128x256xf32, #tpu.memory_space<vmem>>
          %dma_wait3A_275 = tpu.memref_squeeze %dma_wait3A_274 : memref<1x128x256xf32, #tpu.memory_space<vmem>> -> memref<128x256xf32, #tpu.memory_space<vmem>>
          %dma_wait3A_276 = arith.constant 0 : i32
          %dma_wait3A_277 = arith.constant 0 : i32
          %dma_wait3A_278 = tpu.memref_slice %run_scoped3A[%rem3A_188, %dma_wait3A_276, %dma_wait3A_277] : memref<2x1x128xi32, #tpu.memory_space<vmem>> -> memref<1x1x128xi32, #tpu.memory_space<vmem>>
          %dma_wait3A_279 = tpu.memref_squeeze %dma_wait3A_278 : memref<1x1x128xi32, #tpu.memory_space<vmem>> -> memref<1x128xi32, #tpu.memory_space<vmem>>
          %dma_wait3A_280 = arith.constant 0 : i32
          %dma_wait3A_281 = tpu.memref_slice %dma_wait3A_279[%run_scoped3A_191, %dma_wait3A_280] : memref<1x128xi32, #tpu.memory_space<vmem>> -> memref<1x128xi32, #tpu.memory_space<vmem>>
          %dma_wait3A_282 = tpu.memref_squeeze %dma_wait3A_281 : memref<1x128xi32, #tpu.memory_space<vmem>> -> memref<128xi32, #tpu.memory_space<vmem>>
          %dma_wait3A_283 = arith.constant 0 : i32
          %dma_wait3A_284 = arith.constant 0 : i32
          %dma_wait3A_285 = tpu.memref_slice %arg2[%dma_wait3A_283, %dma_wait3A_284] : memref<100000x256xf32, #tpu.memory_space<hbm>> -> memref<100000x256xf32, #tpu.memory_space<hbm>>
          tpu.wait_indirect_dma semaphore(%run_scoped3A_257 : memref<!tpu.dma_semaphore, #tpu.memory_space<semaphore_mem>>) src(%dma_wait3A_285 : memref<100000x256xf32, #tpu.memory_space<hbm>>) dst(%dma_wait3A_275 : memref<128x256xf32, #tpu.memory_space<vmem>>)
          tpu.yield
        }) : () -> ()
        "tpu.trace_stop"() : () -> ()
        %ne3A_192 = arith.cmpi ne, %add3A_124, %add3A_142 : i32
        %or3A_193 = arith.constant false
        %or3A_194 = arith.ori %or3A_193, %ne3A_192 : i1
        %or3A_195 = arith.ori %or3A_194, %eq3A_123 : i1
        %convert_element_type3A_196 = arith.extui %or3A_195 : i1 to i32
        %cond3A_197 = arith.constant 0 : i32
        %cond3A_198 = arith.cmpi ne, %convert_element_type3A_196, %cond3A_197 : i32
        scf.if %cond3A_198 {
        } else {
        }
        %and3A_199 = arith.constant false
        %and3A_200 = arith.andi %or3A_195, %and3A_199 : i1
        %ne3A_201 = arith.cmpi ne, %add3A_124, %add3A_142 : i32
        %or3A_202 = arith.constant false
        %or3A_203 = arith.ori %or3A_202, %ne3A_201 : i1
        %or3A_204 = arith.constant false
        %or3A_205 = arith.ori %or3A_203, %or3A_204 : i1
        %or3A_206 = arith.ori %or3A_205, %eq3A_123 : i1
        %convert_element_type3A_207 = arith.extui %or3A_206 : i1 to i32
        %cond3A_208 = arith.constant 0 : i32
        %cond3A_209 = arith.cmpi ne, %convert_element_type3A_207, %cond3A_208 : i32
        scf.if %cond3A_209 {
          "tpu.trace_start"() <{level = 10 : i32, message = "ep_copy_out"}> : () -> ()
          %rem3A_257 = arith.constant 2 : i32
          %rem3A_258 = arith.remui %scan3A_117, %rem3A_257 : i32
          %mul3A_259 = arith.constant 128 : i32
          %mul3A_260 = arith.muli %mul3A_259, %add3A_124 : i32
          %dma_start3A_261 = arith.constant 0 : i32
          %dma_start3A_262 = arith.constant 0 : i32
          %dma_start3A_263 = tpu.memref_slice %run_scoped3A_2[%rem3A_258, %dma_start3A_261, %dma_start3A_262] : memref<2x128x256xf32, #tpu.memory_space<vmem>> -> memref<1x128x256xf32, #tpu.memory_space<vmem>>
          %dma_start3A_264 = tpu.memref_squeeze %dma_start3A_263 : memref<1x128x256xf32, #tpu.memory_space<vmem>> -> memref<128x256xf32, #tpu.memory_space<vmem>>
          %dma_start3A_265 = arith.constant 0 : i32
          %dma_start3A_266 = tpu.memref_slice %arg4[%mul3A_260, %dma_start3A_265] : memref<12288x256xf32, #tpu.memory_space<hbm>> -> memref<128x256xf32, #tpu.memory_space<hbm>>
          %dma_start3A_267 = tpu.memref_slice %run_scoped3A_3[%rem3A_258] : memref<2x!tpu.dma_semaphore, #tpu.memory_space<semaphore_mem>> -> memref<1x!tpu.dma_semaphore, #tpu.memory_space<semaphore_mem>>
          %dma_start3A_268 = tpu.memref_squeeze %dma_start3A_267 : memref<1x!tpu.dma_semaphore, #tpu.memory_space<semaphore_mem>> -> memref<!tpu.dma_semaphore, #tpu.memory_space<semaphore_mem>>
          %dma_start3A_269 = arith.constant 0 : i32
          %dma_start3A_270 = tpu.memref_slice %arg4[%mul3A_260, %dma_start3A_269] : memref<12288x256xf32, #tpu.memory_space<hbm>> -> memref<128x256xf32, #tpu.memory_space<hbm>>
          %dma_start3A_271 = arith.constant 0 : i32
          %dma_start3A_272 = arith.constant 0 : i32
          %dma_start3A_273 = tpu.memref_slice %run_scoped3A_2[%rem3A_258, %dma_start3A_271, %dma_start3A_272] : memref<2x128x256xf32, #tpu.memory_space<vmem>> -> memref<1x128x256xf32, #tpu.memory_space<vmem>>
          %dma_start3A_274 = tpu.memref_squeeze %dma_start3A_273 : memref<1x128x256xf32, #tpu.memory_space<vmem>> -> memref<128x256xf32, #tpu.memory_space<vmem>>
          tpu.enqueue_dma source(%dma_start3A_274 : memref<128x256xf32, #tpu.memory_space<vmem>>) target(%dma_start3A_270 : memref<128x256xf32, #tpu.memory_space<hbm>>) target_semaphore(%dma_start3A_268 : memref<!tpu.dma_semaphore, #tpu.memory_space<semaphore_mem>>)
          "tpu.trace_stop"() : () -> ()
        } else {
        }
        %and3A_210 = arith.constant true
        %and3A_211 = arith.andi %or3A_206, %and3A_210 : i1
        %add3A_212 = arith.constant 1 : i32
        %add3A_213 = arith.addi %scan3A_117, %add3A_212 : i32
        %select_n3A_214 = arith.select %and3A_211, %add3A_213, %scan3A_117 : i32
        %ne3A_215 = arith.cmpi ne, %add3A_124, %add3A_133 : i32
        %or3A_216 = arith.constant false
        %or3A_217 = arith.ori %or3A_216, %ne3A_215 : i1
        %not3A_218 = arith.constant true
        %not3A_219 = arith.xori %eq3A_121, %not3A_218 : i1
        %and3A_220 = arith.andi %or3A_217, %not3A_219 : i1
        %convert_element_type3A_221 = arith.extui %and3A_220 : i1 to i32
        %cond3A_222 = arith.constant 0 : i32
        %cond3A_223 = arith.cmpi ne, %convert_element_type3A_221, %cond3A_222 : i32
        scf.if %cond3A_223 {
        } else {
        }
        %and3A_224 = arith.constant false
        %and3A_225 = arith.andi %and3A_220, %and3A_224 : i1
        %ne3A_226 = arith.cmpi ne, %add3A_124, %add3A_133 : i32
        %or3A_227 = arith.constant false
        %or3A_228 = arith.ori %or3A_227, %ne3A_226 : i1
        %or3A_229 = arith.constant false
        %or3A_230 = arith.ori %or3A_228, %or3A_229 : i1
        %not3A_231 = arith.constant true
        %not3A_232 = arith.xori %eq3A_121, %not3A_231 : i1
        %and3A_233 = arith.andi %or3A_230, %not3A_232 : i1
        %convert_element_type3A_234 = arith.extui %and3A_233 : i1 to i32
        %cond3A_235 = arith.constant 0 : i32
        %cond3A_236 = arith.cmpi ne, %convert_element_type3A_234, %cond3A_235 : i32
        scf.if %cond3A_236 {
          "tpu.trace_start"() <{level = 10 : i32, message = "ep_wait_out"}> : () -> ()
          %rem3A_257 = arith.constant 2 : i32
          %rem3A_258 = arith.remui %scan3A_118, %rem3A_257 : i32
          %mul3A_259 = arith.constant 128 : i32
          %mul3A_260 = arith.muli %mul3A_259, %add3A_133 : i32
          %dma_wait3A_261 = arith.constant 0 : i32
          %dma_wait3A_262 = arith.constant 0 : i32
          %dma_wait3A_263 = tpu.memref_slice %run_scoped3A_2[%rem3A_258, %dma_wait3A_261, %dma_wait3A_262] : memref<2x128x256xf32, #tpu.memory_space<vmem>> -> memref<1x128x256xf32, #tpu.memory_space<vmem>>
          %dma_wait3A_264 = tpu.memref_squeeze %dma_wait3A_263 : memref<1x128x256xf32, #tpu.memory_space<vmem>> -> memref<128x256xf32, #tpu.memory_space<vmem>>
          %dma_wait3A_265 = arith.constant 0 : i32
          %dma_wait3A_266 = tpu.memref_slice %arg4[%mul3A_260, %dma_wait3A_265] : memref<12288x256xf32, #tpu.memory_space<hbm>> -> memref<128x256xf32, #tpu.memory_space<hbm>>
          %dma_wait3A_267 = tpu.memref_slice %run_scoped3A_3[%rem3A_258] : memref<2x!tpu.dma_semaphore, #tpu.memory_space<semaphore_mem>> -> memref<1x!tpu.dma_semaphore, #tpu.memory_space<semaphore_mem>>
          %dma_wait3A_268 = tpu.memref_squeeze %dma_wait3A_267 : memref<1x!tpu.dma_semaphore, #tpu.memory_space<semaphore_mem>> -> memref<!tpu.dma_semaphore, #tpu.memory_space<semaphore_mem>>
          %dma_wait3A_269 = arith.constant 0 : i32
          %dma_wait3A_270 = tpu.memref_slice %arg4[%mul3A_260, %dma_wait3A_269] : memref<12288x256xf32, #tpu.memory_space<hbm>> -> memref<128x256xf32, #tpu.memory_space<hbm>>
          %dma_wait3A_271 = arith.constant 0 : i32
          %dma_wait3A_272 = arith.constant 0 : i32
          %dma_wait3A_273 = tpu.memref_slice %run_scoped3A_2[%rem3A_258, %dma_wait3A_271, %dma_wait3A_272] : memref<2x128x256xf32, #tpu.memory_space<vmem>> -> memref<1x128x256xf32, #tpu.memory_space<vmem>>
          %dma_wait3A_274 = tpu.memref_squeeze %dma_wait3A_273 : memref<1x128x256xf32, #tpu.memory_space<vmem>> -> memref<128x256xf32, #tpu.memory_space<vmem>>
          tpu.wait_dma2 semaphore(%dma_wait3A_268 : memref<!tpu.dma_semaphore, #tpu.memory_space<semaphore_mem>>) src(%dma_wait3A_274 : memref<128x256xf32, #tpu.memory_space<vmem>>) dst(%dma_wait3A_270 : memref<128x256xf32, #tpu.memory_space<hbm>>)
          "tpu.trace_stop"() : () -> ()
        } else {
        }
        %and3A_237 = arith.constant true
        %and3A_238 = arith.andi %and3A_233, %and3A_237 : i1
        %add3A_239 = arith.constant 1 : i32
        %add3A_240 = arith.addi %scan3A_118, %add3A_239 : i32
        %select_n3A_241 = arith.select %and3A_238, %add3A_240, %scan3A_118 : i32
        %ne3A_242 = arith.cmpi ne, %add3A_124, %add3A_142 : i32
        %or3A_243 = arith.constant false
        %or3A_244 = arith.ori %or3A_243, %ne3A_242 : i1
        %or3A_245 = arith.ori %or3A_244, %eq3A_123 : i1
        %add3A_246 = arith.constant 1 : i32
        %add3A_247 = arith.addi %scan3A_116, %add3A_246 : i32
        %select_n3A_248 = arith.select %or3A_245, %add3A_247, %scan3A_116 : i32
        %add3A_249 = arith.constant 1 : i32
        %add3A_250 = arith.addi %scan3A_119, %add3A_249 : i32
        %select_n3A_251 = arith.constant true
        %select_n3A_252 = arith.select %select_n3A_251, %add3A_250, %scan3A_119 : i32
        %eq3A_253 = arith.constant 6 : i32
        %eq3A_254 = arith.cmpi eq, %select_n3A_252, %eq3A_253 : i32
        %select_n3A_255 = arith.constant 0 : i32
        %select_n3A_256 = arith.select %eq3A_254, %select_n3A_255, %select_n3A_252 : i32
        scf.yield %select_n3A_160, %select_n3A_248, %select_n3A_214, %select_n3A_241, %select_n3A_256 : i32, i32, i32, i32, i32
      }
      %scan3A_61 = arith.constant 6 : i32
      %sub3A = arith.constant 1 : i32
      %sub3A_62 = arith.subi %scan3A_60#4, %sub3A : i32
      %select_n3A_63 = arith.constant true
      %select_n3A_64 = arith.select %select_n3A_63, %sub3A_62, %scan3A_60#4 : i32
      %eq3A_65 = arith.constant -1 : i32
      %eq3A_66 = arith.cmpi eq, %select_n3A_64, %eq3A_65 : i32
      %select_n3A_67 = arith.constant 5 : i32
      %select_n3A_68 = arith.select %eq3A_66, %select_n3A_67, %select_n3A_64 : i32
      %add3A_69 = arith.addi %select_n3A_68, %mul3A_0 : i32
      %sub3A_70 = arith.constant 1 : i32
      %sub3A_71 = arith.subi %select_n3A_68, %sub3A_70 : i32
      %select_n3A_72 = arith.constant true
      %select_n3A_73 = arith.select %select_n3A_72, %sub3A_71, %select_n3A_68 : i32
      %eq3A_74 = arith.constant -1 : i32
      %eq3A_75 = arith.cmpi eq, %select_n3A_73, %eq3A_74 : i32
      %select_n3A_76 = arith.constant 5 : i32
      %select_n3A_77 = arith.select %eq3A_75, %select_n3A_76, %select_n3A_73 : i32
      %add3A_78 = arith.addi %select_n3A_77, %mul3A_0 : i32
      %add3A_79 = arith.constant 1 : i32
      %add3A_80 = arith.addi %select_n3A_68, %add3A_79 : i32
      %select_n3A_81 = arith.constant true
      %select_n3A_82 = arith.select %select_n3A_81, %add3A_80, %select_n3A_68 : i32
      %eq3A_83 = arith.constant 6 : i32
      %eq3A_84 = arith.cmpi eq, %select_n3A_82, %eq3A_83 : i32
      %select_n3A_85 = arith.constant 0 : i32
      %select_n3A_86 = arith.select %eq3A_84, %select_n3A_85, %select_n3A_82 : i32
      %add3A_87 = arith.addi %select_n3A_86, %mul3A_0 : i32
      %add3A_88 = arith.constant 1 : i32
      %add3A_89 = arith.addi %select_n3A_86, %add3A_88 : i32
      %select_n3A_90 = arith.constant true
      %select_n3A_91 = arith.select %select_n3A_90, %add3A_89, %select_n3A_86 : i32
      %eq3A_92 = arith.constant 6 : i32
      %eq3A_93 = arith.cmpi eq, %select_n3A_91, %eq3A_92 : i32
      %select_n3A_94 = arith.constant 0 : i32
      %select_n3A_95 = arith.select %eq3A_93, %select_n3A_94, %select_n3A_91 : i32
      %add3A_96 = arith.addi %select_n3A_95, %mul3A_0 : i32
      "tpu.trace_start"() <{level = 10 : i32, message = "ep_finalize"}> : () -> ()
      %rem3A_97 = arith.constant 2 : i32
      %rem3A_98 = arith.remui %scan3A_60#3, %rem3A_97 : i32
      %mul3A_99 = arith.constant 128 : i32
      %mul3A_100 = arith.muli %mul3A_99, %add3A_69 : i32
      %dma_wait3A = arith.constant 0 : i32
      %dma_wait3A_101 = arith.constant 0 : i32
      %dma_wait3A_102 = tpu.memref_slice %run_scoped3A_2[%rem3A_98, %dma_wait3A, %dma_wait3A_101] : memref<2x128x256xf32, #tpu.memory_space<vmem>> -> memref<1x128x256xf32, #tpu.memory_space<vmem>>
      %dma_wait3A_103 = tpu.memref_squeeze %dma_wait3A_102 : memref<1x128x256xf32, #tpu.memory_space<vmem>> -> memref<128x256xf32, #tpu.memory_space<vmem>>
      %dma_wait3A_104 = arith.constant 0 : i32
      %dma_wait3A_105 = tpu.memref_slice %arg4[%mul3A_100, %dma_wait3A_104] : memref<12288x256xf32, #tpu.memory_space<hbm>> -> memref<128x256xf32, #tpu.memory_space<hbm>>
      %dma_wait3A_106 = tpu.memref_slice %run_scoped3A_3[%rem3A_98] : memref<2x!tpu.dma_semaphore, #tpu.memory_space<semaphore_mem>> -> memref<1x!tpu.dma_semaphore, #tpu.memory_space<semaphore_mem>>
      %dma_wait3A_107 = tpu.memref_squeeze %dma_wait3A_106 : memref<1x!tpu.dma_semaphore, #tpu.memory_space<semaphore_mem>> -> memref<!tpu.dma_semaphore, #tpu.memory_space<semaphore_mem>>
      %dma_wait3A_108 = arith.constant 0 : i32
      %dma_wait3A_109 = tpu.memref_slice %arg4[%mul3A_100, %dma_wait3A_108] : memref<12288x256xf32, #tpu.memory_space<hbm>> -> memref<128x256xf32, #tpu.memory_space<hbm>>
      %dma_wait3A_110 = arith.constant 0 : i32
      %dma_wait3A_111 = arith.constant 0 : i32
      %dma_wait3A_112 = tpu.memref_slice %run_scoped3A_2[%rem3A_98, %dma_wait3A_110, %dma_wait3A_111] : memref<2x128x256xf32, #tpu.memory_space<vmem>> -> memref<1x128x256xf32, #tpu.memory_space<vmem>>
      %dma_wait3A_113 = tpu.memref_squeeze %dma_wait3A_112 : memref<1x128x256xf32, #tpu.memory_space<vmem>> -> memref<128x256xf32, #tpu.memory_space<vmem>>
      tpu.wait_dma2 semaphore(%dma_wait3A_107 : memref<!tpu.dma_semaphore, #tpu.memory_space<semaphore_mem>>) src(%dma_wait3A_113 : memref<128x256xf32, #tpu.memory_space<vmem>>) dst(%dma_wait3A_109 : memref<128x256xf32, #tpu.memory_space<hbm>>)
      "tpu.trace_stop"() : () -> ()
      tpu.yield
    }) : () -> ()
    return
  }
}

module attributes {stable_mosaic.version = 14 : i64} {
  func.func @_norm_kernel(%arg0: i32, %arg1: memref<2048x384xf32, #tpu.memory_space<vmem>>, %arg2: memref<384x2048xbf16, #tpu.memory_space<vmem>>) attributes {dimension_semantics = [#tpu.dimension_semantics<arbitrary>], iteration_bounds = array<i64: 49>, scalar_prefetch = 0 : i64, scratch_operands = 0 : i64, tpu.core_type = #tpu.core_type<tc>, window_params = [{transform_indices = @transform_0, window_bounds = array<i64: 2048, 384>}, {transform_indices = @transform_1, window_bounds = array<i64: 384, 2048>}]} {
    %get3A = arith.constant 0 : index
    %get3A_0 = arith.constant 0 : index
    %get3A_1 = vector.load %arg1[%get3A, %get3A_0] : memref<2048x384xf32, #tpu.memory_space<vmem>>, vector<2048x384xf32>
    %mul3A = arith.mulf %get3A_1, %get3A_1 : vector<2048x384xf32>
    %reduce_sum3A = arith.constant dense<0.000000e+00> : vector<2048xf32>
    %reduce_sum3A_2 = vector.multi_reduction <add>, %mul3A, %reduce_sum3A [1] : vector<2048x384xf32> to vector<2048xf32>
    %broadcast_in_dim3A = vector.shape_cast %reduce_sum3A_2 : vector<2048xf32> to vector<2048x1xf32>
    %sqrt3A = math.sqrt %broadcast_in_dim3A : vector<2048x1xf32>
    %add3A = arith.constant 9.99999996E-13 : f32
    %add3A_3 = vector.broadcast %add3A : f32 to vector<2048x1xf32>
    %add3A_4 = arith.addf %sqrt3A, %add3A_3 : vector<2048x1xf32>
    %div3A = vector.broadcast %add3A_4 : vector<2048x1xf32> to vector<2048x384xf32>
    %div3A_5 = arith.divf %get3A_1, %div3A : vector<2048x384xf32>
    %convert_element_type3A = arith.truncf %div3A_5 : vector<2048x384xf32> to vector<2048x384xbf16>
    %iota3A = tpu.iota {dimensions = array<i32: 0>} : vector<2048x1xi32>
    %mul3A_6 = arith.constant 2048 : i32
    %mul3A_7 = arith.muli %arg0, %mul3A_6 : i32
    %add3A_8 = vector.broadcast %mul3A_7 : i32 to vector<2048x1xi32>
    %add3A_9 = arith.addi %iota3A, %add3A_8 : vector<2048x1xi32>
    %lt3A = arith.constant 100000 : i32
    %lt3A_10 = vector.broadcast %lt3A : i32 to vector<2048x1xi32>
    %lt3A_11 = arith.cmpi slt, %add3A_9, %lt3A_10 : vector<2048x1xi32>
    %jit3A = arith.constant 0.000000e+00 : bf16
    %broadcast_in_dim3A_12 = vector.shape_cast %lt3A_11 : vector<2048x1xi1> to vector<2048x1xi1>
    %broadcast_in_dim3A_13 = vector.broadcast %broadcast_in_dim3A_12 : vector<2048x1xi1> to vector<2048x384xi1>
    %broadcast_in_dim3A_14 = vector.broadcast %jit3A : bf16 to vector<2048x384xbf16>
    %select_n3A = arith.select %broadcast_in_dim3A_13, %convert_element_type3A, %broadcast_in_dim3A_14 : vector<2048x384xi1>, vector<2048x384xbf16>
    %transpose3A = tpu.transpose %select_n3A, [1, 0] : vector<2048x384xbf16> -> vector<384x2048xbf16>
    %swap3A = arith.constant 0 : index
    %swap3A_15 = arith.constant 0 : index
    %swap3A_16 = vector.load %arg2[%swap3A, %swap3A_15] : memref<384x2048xbf16, #tpu.memory_space<vmem>>, vector<384x2048xbf16>
    tpu.vector_store %arg2[%swap3A, %swap3A_15], %transpose3A {strides = array<i32>} : memref<384x2048xbf16, #tpu.memory_space<vmem>>, vector<384x2048xbf16>,
    return
  }
  func.func @transform_0(%arg0: i32) -> (i32, i32) {
    %c0_i32 = arith.constant 0 : i32
    %c0_i32_0 = arith.constant 0 : i32
    return %arg0, %c0_i32 : i32, i32
  }
  func.func @transform_1(%arg0: i32) -> (i32, i32) {
    %c0_i32 = arith.constant 0 : i32
    %c0_i32_0 = arith.constant 0 : i32
    return %c0_i32, %arg0 : i32, i32
  }
}

module attributes {stable_mosaic.version = 14 : i64} {
  func.func @_topk_kernel(%arg0: i32, %arg1: i32, %arg2: memref<2048x384xf32, #tpu.memory_space<vmem>>, %arg3: memref<384x1024xbf16, #tpu.memory_space<vmem>>, %arg4: memref<3x16x128xf32, #tpu.memory_space<vmem>>, %arg5: memref<3x16x128xi32, #tpu.memory_space<vmem>>, %arg6: memref<2048x384xbf16, #tpu.memory_space<vmem>>, %arg7: memref<2048x128xf32, #tpu.memory_space<vmem>>, %arg8: memref<2048x128xf32, #tpu.memory_space<vmem>>, %arg9: memref<2048x128xf32, #tpu.memory_space<vmem>>, %arg10: memref<2048x128xi32, #tpu.memory_space<vmem>>, %arg11: memref<2048x128xi32, #tpu.memory_space<vmem>>, %arg12: memref<2048x128xi32, #tpu.memory_space<vmem>>) attributes {dimension_semantics = [#tpu.dimension_semantics<arbitrary>, #tpu.dimension_semantics<arbitrary>], iteration_bounds = array<i64: 2, 98>, scalar_prefetch = 0 : i64, scratch_operands = 7 : i64, tpu.core_type = #tpu.core_type<tc>, window_params = [{transform_indices = @transform_0, window_bounds = array<i64: 2048, 384>}, {transform_indices = @transform_1, window_bounds = array<i64: 384, 1024>}, {transform_indices = @transform_2, window_bounds = array<i64: 3, 16, 128>}, {transform_indices = @transform_3, window_bounds = array<i64: 3, 16, 128>}]} {
    %eq3A = arith.constant 0 : i32
    %eq3A_0 = arith.cmpi eq, %arg1, %eq3A : i32
    %convert_element_type3A = arith.extui %eq3A_0 : i1 to i32
    %cond3A = arith.constant 0 : i32
    %cond3A_1 = arith.cmpi ne, %convert_element_type3A, %cond3A : i32
    scf.if %cond3A_1 {
      %get3A_202 = arith.constant 0 : index
      %get3A_203 = arith.constant 0 : index
      %get3A_204 = vector.load %arg2[%get3A_202, %get3A_203] : memref<2048x384xf32, #tpu.memory_space<vmem>>, vector<2048x384xf32>
      %mul3A_205 = arith.mulf %get3A_204, %get3A_204 : vector<2048x384xf32>
      %reduce_sum3A = arith.constant dense<0.000000e+00> : vector<2048xf32>
      %reduce_sum3A_206 = vector.multi_reduction <add>, %mul3A_205, %reduce_sum3A [1] : vector<2048x384xf32> to vector<2048xf32>
      %broadcast_in_dim3A_207 = vector.shape_cast %reduce_sum3A_206 : vector<2048xf32> to vector<2048x1xf32>
      %sqrt3A = math.sqrt %broadcast_in_dim3A_207 : vector<2048x1xf32>
      %add3A_208 = arith.constant 9.99999996E-13 : f32
      %add3A_209 = vector.broadcast %add3A_208 : f32 to vector<2048x1xf32>
      %add3A_210 = arith.addf %sqrt3A, %add3A_209 : vector<2048x1xf32>
      %div3A = vector.broadcast %add3A_210 : vector<2048x1xf32> to vector<2048x384xf32>
      %div3A_211 = arith.divf %get3A_204, %div3A : vector<2048x384xf32>
      %convert_element_type3A_212 = arith.truncf %div3A_211 : vector<2048x384xf32> to vector<2048x384xbf16>
      %swap3A_213 = arith.constant 0 : index
      %swap3A_214 = arith.constant 0 : index
      %swap3A_215 = vector.load %arg6[%swap3A_213, %swap3A_214] : memref<2048x384xbf16, #tpu.memory_space<vmem>>, vector<2048x384xbf16>
      tpu.vector_store %arg6[%swap3A_213, %swap3A_214], %convert_element_type3A_212 {strides = array<i32>} : memref<2048x384xbf16, #tpu.memory_space<vmem>>, vector<2048x384xbf16>,
      %broadcast_in_dim3A_216 = arith.constant -1.000000e+30 : f32
      %broadcast_in_dim3A_217 = vector.broadcast %broadcast_in_dim3A_216 : f32 to vector<2048x128xf32>
      %swap3A_218 = arith.constant 0 : index
      %swap3A_219 = arith.constant 0 : index
      %swap3A_220 = vector.load %arg7[%swap3A_218, %swap3A_219] : memref<2048x128xf32, #tpu.memory_space<vmem>>, vector<2048x128xf32>
      tpu.vector_store %arg7[%swap3A_218, %swap3A_219], %broadcast_in_dim3A_217 {strides = array<i32>} : memref<2048x128xf32, #tpu.memory_space<vmem>>, vector<2048x128xf32>,
      %broadcast_in_dim3A_221 = arith.constant -1.000000e+30 : f32
      %broadcast_in_dim3A_222 = vector.broadcast %broadcast_in_dim3A_221 : f32 to vector<2048x128xf32>
      %swap3A_223 = arith.constant 0 : index
      %swap3A_224 = arith.constant 0 : index
      %swap3A_225 = vector.load %arg8[%swap3A_223, %swap3A_224] : memref<2048x128xf32, #tpu.memory_space<vmem>>, vector<2048x128xf32>
      tpu.vector_store %arg8[%swap3A_223, %swap3A_224], %broadcast_in_dim3A_222 {strides = array<i32>} : memref<2048x128xf32, #tpu.memory_space<vmem>>, vector<2048x128xf32>,
      %broadcast_in_dim3A_226 = arith.constant -1.000000e+30 : f32
      %broadcast_in_dim3A_227 = vector.broadcast %broadcast_in_dim3A_226 : f32 to vector<2048x128xf32>
      %swap3A_228 = arith.constant 0 : index
      %swap3A_229 = arith.constant 0 : index
      %swap3A_230 = vector.load %arg9[%swap3A_228, %swap3A_229] : memref<2048x128xf32, #tpu.memory_space<vmem>>, vector<2048x128xf32>
      tpu.vector_store %arg9[%swap3A_228, %swap3A_229], %broadcast_in_dim3A_227 {strides = array<i32>} : memref<2048x128xf32, #tpu.memory_space<vmem>>, vector<2048x128xf32>,
      %broadcast_in_dim3A_231 = arith.constant 0 : i32
      %broadcast_in_dim3A_232 = vector.broadcast %broadcast_in_dim3A_231 : i32 to vector<2048x128xi32>
      %swap3A_233 = arith.constant 0 : index
      %swap3A_234 = arith.constant 0 : index
      %swap3A_235 = vector.load %arg10[%swap3A_233, %swap3A_234] : memref<2048x128xi32, #tpu.memory_space<vmem>>, vector<2048x128xi32>
      tpu.vector_store %arg10[%swap3A_233, %swap3A_234], %broadcast_in_dim3A_232 {strides = array<i32>} : memref<2048x128xi32, #tpu.memory_space<vmem>>, vector<2048x128xi32>,
      %broadcast_in_dim3A_236 = arith.constant 0 : i32
      %broadcast_in_dim3A_237 = vector.broadcast %broadcast_in_dim3A_236 : i32 to vector<2048x128xi32>
      %swap3A_238 = arith.constant 0 : index
      %swap3A_239 = arith.constant 0 : index
      %swap3A_240 = vector.load %arg11[%swap3A_238, %swap3A_239] : memref<2048x128xi32, #tpu.memory_space<vmem>>, vector<2048x128xi32>
      tpu.vector_store %arg11[%swap3A_238, %swap3A_239], %broadcast_in_dim3A_237 {strides = array<i32>} : memref<2048x128xi32, #tpu.memory_space<vmem>>, vector<2048x128xi32>,
      %broadcast_in_dim3A_241 = arith.constant 0 : i32
      %broadcast_in_dim3A_242 = vector.broadcast %broadcast_in_dim3A_241 : i32 to vector<2048x128xi32>
      %swap3A_243 = arith.constant 0 : index
      %swap3A_244 = arith.constant 0 : index
      %swap3A_245 = vector.load %arg12[%swap3A_243, %swap3A_244] : memref<2048x128xi32, #tpu.memory_space<vmem>>, vector<2048x128xi32>
      tpu.vector_store %arg12[%swap3A_243, %swap3A_244], %broadcast_in_dim3A_242 {strides = array<i32>} : memref<2048x128xi32, #tpu.memory_space<vmem>>, vector<2048x128xi32>,
    } else {
    }
    %get3A = arith.constant 0 : index
    %get3A_2 = arith.constant 0 : index
    %get3A_3 = vector.load %arg3[%get3A, %get3A_2] : memref<384x1024xbf16, #tpu.memory_space<vmem>>, vector<384x1024xbf16>
    %get3A_4 = arith.constant 0 : index
    %get3A_5 = arith.constant 0 : index
    %get3A_6 = vector.load %arg6[%get3A_4, %get3A_5] : memref<2048x384xbf16, #tpu.memory_space<vmem>>, vector<2048x384xbf16>
    %dot_general3A = arith.constant dense<0.000000e+00> : vector<2048x1024xf32>
    %dot_general3A_7 = tpu.matmul %get3A_6, %get3A_3, %dot_general3A {dimension_numbers = #tpu.dot_dimension_numbers<[1], [0], [0], [1], [0, 0, 1, 1], [], []>, transpose_lhs_hint = false} : vector<2048x384xbf16>, vector<384x1024xbf16>, vector<2048x1024xf32> -> vector<2048x1024xf32>
    %iota3A = tpu.iota {dimensions = array<i32: 1>} : vector<2048x128xi32>
    %get3A_8 = arith.constant 0 : index
    %get3A_9 = arith.constant 0 : index
    %get3A_10 = vector.load %arg7[%get3A_8, %get3A_9] : memref<2048x128xf32, #tpu.memory_space<vmem>>, vector<2048x128xf32>
    %get3A_11 = arith.constant 0 : index
    %get3A_12 = arith.constant 0 : index
    %get3A_13 = vector.load %arg8[%get3A_11, %get3A_12] : memref<2048x128xf32, #tpu.memory_space<vmem>>, vector<2048x128xf32>
    %get3A_14 = arith.constant 0 : index
    %get3A_15 = arith.constant 0 : index
    %get3A_16 = vector.load %arg9[%get3A_14, %get3A_15] : memref<2048x128xf32, #tpu.memory_space<vmem>>, vector<2048x128xf32>
    %get3A_17 = arith.constant 0 : index
    %get3A_18 = arith.constant 0 : index
    %get3A_19 = vector.load %arg10[%get3A_17, %get3A_18] : memref<2048x128xi32, #tpu.memory_space<vmem>>, vector<2048x128xi32>
    %get3A_20 = arith.constant 0 : index
    %get3A_21 = arith.constant 0 : index
    %get3A_22 = vector.load %arg11[%get3A_20, %get3A_21] : memref<2048x128xi32, #tpu.memory_space<vmem>>, vector<2048x128xi32>
    %get3A_23 = arith.constant 0 : index
    %get3A_24 = arith.constant 0 : index
    %get3A_25 = vector.load %arg12[%get3A_23, %get3A_24] : memref<2048x128xi32, #tpu.memory_space<vmem>>, vector<2048x128xi32>
    %slice3A = vector.extract_strided_slice %dot_general3A_7 {offsets = [0, 0], sizes = [2048, 128], strides = [1, 1]} : vector<2048x1024xf32> to vector<2048x128xf32>
    %mul3A = arith.constant 8 : i32
    %mul3A_26 = arith.muli %arg1, %mul3A : i32
    %add3A = arith.constant 0 : i32
    %add3A_27 = arith.addi %mul3A_26, %add3A : i32
    %gt3A = arith.cmpf ogt, %slice3A, %get3A_10 : vector<2048x128xf32>
    %select_n3A = arith.select %gt3A, %get3A_10, %slice3A : vector<2048x128xi1>, vector<2048x128xf32>
    %broadcast_in_dim3A = vector.broadcast %add3A_27 : i32 to vector<2048x128xi32>
    %select_n3A_28 = arith.select %gt3A, %get3A_19, %broadcast_in_dim3A : vector<2048x128xi1>, vector<2048x128xi32>
    %select_n3A_29 = arith.select %gt3A, %slice3A, %get3A_10 : vector<2048x128xi1>, vector<2048x128xf32>
    %broadcast_in_dim3A_30 = vector.broadcast %add3A_27 : i32 to vector<2048x128xi32>
    %select_n3A_31 = arith.select %gt3A, %broadcast_in_dim3A_30, %get3A_19 : vector<2048x128xi1>, vector<2048x128xi32>
    %gt3A_32 = arith.cmpf ogt, %select_n3A, %get3A_13 : vector<2048x128xf32>
    %select_n3A_33 = arith.select %gt3A_32, %get3A_13, %select_n3A : vector<2048x128xi1>, vector<2048x128xf32>
    %select_n3A_34 = arith.select %gt3A_32, %get3A_22, %select_n3A_28 : vector<2048x128xi1>, vector<2048x128xi32>
    %select_n3A_35 = arith.select %gt3A_32, %select_n3A, %get3A_13 : vector<2048x128xi1>, vector<2048x128xf32>
    %select_n3A_36 = arith.select %gt3A_32, %select_n3A_28, %get3A_22 : vector<2048x128xi1>, vector<2048x128xi32>
    %gt3A_37 = arith.cmpf ogt, %select_n3A_33, %get3A_16 : vector<2048x128xf32>
    %select_n3A_38 = arith.select %gt3A_37, %select_n3A_33, %get3A_16 : vector<2048x128xi1>, vector<2048x128xf32>
    %select_n3A_39 = arith.select %gt3A_37, %select_n3A_34, %get3A_25 : vector<2048x128xi1>, vector<2048x128xi32>
    %slice3A_40 = vector.extract_strided_slice %dot_general3A_7 {offsets = [0, 128], sizes = [2048, 128], strides = [1, 1]} : vector<2048x1024xf32> to vector<2048x128xf32>
    %mul3A_41 = arith.constant 8 : i32
    %mul3A_42 = arith.muli %arg1, %mul3A_41 : i32
    %add3A_43 = arith.constant 1 : i32
    %add3A_44 = arith.addi %mul3A_42, %add3A_43 : i32
    %gt3A_45 = arith.cmpf ogt, %slice3A_40, %select_n3A_29 : vector<2048x128xf32>
    %select_n3A_46 = arith.select %gt3A_45, %select_n3A_29, %slice3A_40 : vector<2048x128xi1>, vector<2048x128xf32>
    %broadcast_in_dim3A_47 = vector.broadcast %add3A_44 : i32 to vector<2048x128xi32>
    %select_n3A_48 = arith.select %gt3A_45, %select_n3A_31, %broadcast_in_dim3A_47 : vector<2048x128xi1>, vector<2048x128xi32>
    %select_n3A_49 = arith.select %gt3A_45, %slice3A_40, %select_n3A_29 : vector<2048x128xi1>, vector<2048x128xf32>
    %broadcast_in_dim3A_50 = vector.broadcast %add3A_44 : i32 to vector<2048x128xi32>
    %select_n3A_51 = arith.select %gt3A_45, %broadcast_in_dim3A_50, %select_n3A_31 : vector<2048x128xi1>, vector<2048x128xi32>
    %gt3A_52 = arith.cmpf ogt, %select_n3A_46, %select_n3A_35 : vector<2048x128xf32>
    %select_n3A_53 = arith.select %gt3A_52, %select_n3A_35, %select_n3A_46 : vector<2048x128xi1>, vector<2048x128xf32>
    %select_n3A_54 = arith.select %gt3A_52, %select_n3A_36, %select_n3A_48 : vector<2048x128xi1>, vector<2048x128xi32>
    %select_n3A_55 = arith.select %gt3A_52, %select_n3A_46, %select_n3A_35 : vector<2048x128xi1>, vector<2048x128xf32>
    %select_n3A_56 = arith.select %gt3A_52, %select_n3A_48, %select_n3A_36 : vector<2048x128xi1>, vector<2048x128xi32>
    %gt3A_57 = arith.cmpf ogt, %select_n3A_53, %select_n3A_38 : vector<2048x128xf32>
    %select_n3A_58 = arith.select %gt3A_57, %select_n3A_53, %select_n3A_38 : vector<2048x128xi1>, vector<2048x128xf32>
    %select_n3A_59 = arith.select %gt3A_57, %select_n3A_54, %select_n3A_39 : vector<2048x128xi1>, vector<2048x128xi32>
    %slice3A_60 = vector.extract_strided_slice %dot_general3A_7 {offsets = [0, 256], sizes = [2048, 128], strides = [1, 1]} : vector<2048x1024xf32> to vector<2048x128xf32>
    %mul3A_61 = arith.constant 8 : i32
    %mul3A_62 = arith.muli %arg1, %mul3A_61 : i32
    %add3A_63 = arith.constant 2 : i32
    %add3A_64 = arith.addi %mul3A_62, %add3A_63 : i32
    %gt3A_65 = arith.cmpf ogt, %slice3A_60, %select_n3A_49 : vector<2048x128xf32>
    %select_n3A_66 = arith.select %gt3A_65, %select_n3A_49, %slice3A_60 : vector<2048x128xi1>, vector<2048x128xf32>
    %broadcast_in_dim3A_67 = vector.broadcast %add3A_64 : i32 to vector<2048x128xi32>
    %select_n3A_68 = arith.select %gt3A_65, %select_n3A_51, %broadcast_in_dim3A_67 : vector<2048x128xi1>, vector<2048x128xi32>
    %select_n3A_69 = arith.select %gt3A_65, %slice3A_60, %select_n3A_49 : vector<2048x128xi1>, vector<2048x128xf32>
    %broadcast_in_dim3A_70 = vector.broadcast %add3A_64 : i32 to vector<2048x128xi32>
    %select_n3A_71 = arith.select %gt3A_65, %broadcast_in_dim3A_70, %select_n3A_51 : vector<2048x128xi1>, vector<2048x128xi32>
    %gt3A_72 = arith.cmpf ogt, %select_n3A_66, %select_n3A_55 : vector<2048x128xf32>
    %select_n3A_73 = arith.select %gt3A_72, %select_n3A_55, %select_n3A_66 : vector<2048x128xi1>, vector<2048x128xf32>
    %select_n3A_74 = arith.select %gt3A_72, %select_n3A_56, %select_n3A_68 : vector<2048x128xi1>, vector<2048x128xi32>
    %select_n3A_75 = arith.select %gt3A_72, %select_n3A_66, %select_n3A_55 : vector<2048x128xi1>, vector<2048x128xf32>
    %select_n3A_76 = arith.select %gt3A_72, %select_n3A_68, %select_n3A_56 : vector<2048x128xi1>, vector<2048x128xi32>
    %gt3A_77 = arith.cmpf ogt, %select_n3A_73, %select_n3A_58 : vector<2048x128xf32>
    %select_n3A_78 = arith.select %gt3A_77, %select_n3A_73, %select_n3A_58 : vector<2048x128xi1>, vector<2048x128xf32>
    %select_n3A_79 = arith.select %gt3A_77, %select_n3A_74, %select_n3A_59 : vector<2048x128xi1>, vector<2048x128xi32>
    %slice3A_80 = vector.extract_strided_slice %dot_general3A_7 {offsets = [0, 384], sizes = [2048, 128], strides = [1, 1]} : vector<2048x1024xf32> to vector<2048x128xf32>
    %mul3A_81 = arith.constant 8 : i32
    %mul3A_82 = arith.muli %arg1, %mul3A_81 : i32
    %add3A_83 = arith.constant 3 : i32
    %add3A_84 = arith.addi %mul3A_82, %add3A_83 : i32
    %gt3A_85 = arith.cmpf ogt, %slice3A_80, %select_n3A_69 : vector<2048x128xf32>
    %select_n3A_86 = arith.select %gt3A_85, %select_n3A_69, %slice3A_80 : vector<2048x128xi1>, vector<2048x128xf32>
    %broadcast_in_dim3A_87 = vector.broadcast %add3A_84 : i32 to vector<2048x128xi32>
    %select_n3A_88 = arith.select %gt3A_85, %select_n3A_71, %broadcast_in_dim3A_87 : vector<2048x128xi1>, vector<2048x128xi32>
    %select_n3A_89 = arith.select %gt3A_85, %slice3A_80, %select_n3A_69 : vector<2048x128xi1>, vector<2048x128xf32>
    %broadcast_in_dim3A_90 = vector.broadcast %add3A_84 : i32 to vector<2048x128xi32>
    %select_n3A_91 = arith.select %gt3A_85, %broadcast_in_dim3A_90, %select_n3A_71 : vector<2048x128xi1>, vector<2048x128xi32>
    %gt3A_92 = arith.cmpf ogt, %select_n3A_86, %select_n3A_75 : vector<2048x128xf32>
    %select_n3A_93 = arith.select %gt3A_92, %select_n3A_75, %select_n3A_86 : vector<2048x128xi1>, vector<2048x128xf32>
    %select_n3A_94 = arith.select %gt3A_92, %select_n3A_76, %select_n3A_88 : vector<2048x128xi1>, vector<2048x128xi32>
    %select_n3A_95 = arith.select %gt3A_92, %select_n3A_86, %select_n3A_75 : vector<2048x128xi1>, vector<2048x128xf32>
    %select_n3A_96 = arith.select %gt3A_92, %select_n3A_88, %select_n3A_76 : vector<2048x128xi1>, vector<2048x128xi32>
    %gt3A_97 = arith.cmpf ogt, %select_n3A_93, %select_n3A_78 : vector<2048x128xf32>
    %select_n3A_98 = arith.select %gt3A_97, %select_n3A_93, %select_n3A_78 : vector<2048x128xi1>, vector<2048x128xf32>
    %select_n3A_99 = arith.select %gt3A_97, %select_n3A_94, %select_n3A_79 : vector<2048x128xi1>, vector<2048x128xi32>
    %slice3A_100 = vector.extract_strided_slice %dot_general3A_7 {offsets = [0, 512], sizes = [2048, 128], strides = [1, 1]} : vector<2048x1024xf32> to vector<2048x128xf32>
    %mul3A_101 = arith.constant 8 : i32
    %mul3A_102 = arith.muli %arg1, %mul3A_101 : i32
    %add3A_103 = arith.constant 4 : i32
    %add3A_104 = arith.addi %mul3A_102, %add3A_103 : i32
    %gt3A_105 = arith.cmpf ogt, %slice3A_100, %select_n3A_89 : vector<2048x128xf32>
    %select_n3A_106 = arith.select %gt3A_105, %select_n3A_89, %slice3A_100 : vector<2048x128xi1>, vector<2048x128xf32>
    %broadcast_in_dim3A_107 = vector.broadcast %add3A_104 : i32 to vector<2048x128xi32>
    %select_n3A_108 = arith.select %gt3A_105, %select_n3A_91, %broadcast_in_dim3A_107 : vector<2048x128xi1>, vector<2048x128xi32>
    %select_n3A_109 = arith.select %gt3A_105, %slice3A_100, %select_n3A_89 : vector<2048x128xi1>, vector<2048x128xf32>
    %broadcast_in_dim3A_110 = vector.broadcast %add3A_104 : i32 to vector<2048x128xi32>
    %select_n3A_111 = arith.select %gt3A_105, %broadcast_in_dim3A_110, %select_n3A_91 : vector<2048x128xi1>, vector<2048x128xi32>
    %gt3A_112 = arith.cmpf ogt, %select_n3A_106, %select_n3A_95 : vector<2048x128xf32>
    %select_n3A_113 = arith.select %gt3A_112, %select_n3A_95, %select_n3A_106 : vector<2048x128xi1>, vector<2048x128xf32>
    %select_n3A_114 = arith.select %gt3A_112, %select_n3A_96, %select_n3A_108 : vector<2048x128xi1>, vector<2048x128xi32>
    %select_n3A_115 = arith.select %gt3A_112, %select_n3A_106, %select_n3A_95 : vector<2048x128xi1>, vector<2048x128xf32>
    %select_n3A_116 = arith.select %gt3A_112, %select_n3A_108, %select_n3A_96 : vector<2048x128xi1>, vector<2048x128xi32>
    %gt3A_117 = arith.cmpf ogt, %select_n3A_113, %select_n3A_98 : vector<2048x128xf32>
    %select_n3A_118 = arith.select %gt3A_117, %select_n3A_113, %select_n3A_98 : vector<2048x128xi1>, vector<2048x128xf32>
    %select_n3A_119 = arith.select %gt3A_117, %select_n3A_114, %select_n3A_99 : vector<2048x128xi1>, vector<2048x128xi32>
    %slice3A_120 = vector.extract_strided_slice %dot_general3A_7 {offsets = [0, 640], sizes = [2048, 128], strides = [1, 1]} : vector<2048x1024xf32> to vector<2048x128xf32>
    %mul3A_121 = arith.constant 8 : i32
    %mul3A_122 = arith.muli %arg1, %mul3A_121 : i32
    %add3A_123 = arith.constant 5 : i32
    %add3A_124 = arith.addi %mul3A_122, %add3A_123 : i32
    %gt3A_125 = arith.cmpf ogt, %slice3A_120, %select_n3A_109 : vector<2048x128xf32>
    %select_n3A_126 = arith.select %gt3A_125, %select_n3A_109, %slice3A_120 : vector<2048x128xi1>, vector<2048x128xf32>
    %broadcast_in_dim3A_127 = vector.broadcast %add3A_124 : i32 to vector<2048x128xi32>
    %select_n3A_128 = arith.select %gt3A_125, %select_n3A_111, %broadcast_in_dim3A_127 : vector<2048x128xi1>, vector<2048x128xi32>
    %select_n3A_129 = arith.select %gt3A_125, %slice3A_120, %select_n3A_109 : vector<2048x128xi1>, vector<2048x128xf32>
    %broadcast_in_dim3A_130 = vector.broadcast %add3A_124 : i32 to vector<2048x128xi32>
    %select_n3A_131 = arith.select %gt3A_125, %broadcast_in_dim3A_130, %select_n3A_111 : vector<2048x128xi1>, vector<2048x128xi32>
    %gt3A_132 = arith.cmpf ogt, %select_n3A_126, %select_n3A_115 : vector<2048x128xf32>
    %select_n3A_133 = arith.select %gt3A_132, %select_n3A_115, %select_n3A_126 : vector<2048x128xi1>, vector<2048x128xf32>
    %select_n3A_134 = arith.select %gt3A_132, %select_n3A_116, %select_n3A_128 : vector<2048x128xi1>, vector<2048x128xi32>
    %select_n3A_135 = arith.select %gt3A_132, %select_n3A_126, %select_n3A_115 : vector<2048x128xi1>, vector<2048x128xf32>
    %select_n3A_136 = arith.select %gt3A_132, %select_n3A_128, %select_n3A_116 : vector<2048x128xi1>, vector<2048x128xi32>
    %gt3A_137 = arith.cmpf ogt, %select_n3A_133, %select_n3A_118 : vector<2048x128xf32>
    %select_n3A_138 = arith.select %gt3A_137, %select_n3A_133, %select_n3A_118 : vector<2048x128xi1>, vector<2048x128xf32>
    %select_n3A_139 = arith.select %gt3A_137, %select_n3A_134, %select_n3A_119 : vector<2048x128xi1>, vector<2048x128xi32>
    %slice3A_140 = vector.extract_strided_slice %dot_general3A_7 {offsets = [0, 768], sizes = [2048, 128], strides = [1, 1]} : vector<2048x1024xf32> to vector<2048x128xf32>
    %mul3A_141 = arith.constant 8 : i32
    %mul3A_142 = arith.muli %arg1, %mul3A_141 : i32
    %add3A_143 = arith.constant 6 : i32
    %add3A_144 = arith.addi %mul3A_142, %add3A_143 : i32
    %gt3A_145 = arith.cmpf ogt, %slice3A_140, %select_n3A_129 : vector<2048x128xf32>
    %select_n3A_146 = arith.select %gt3A_145, %select_n3A_129, %slice3A_140 : vector<2048x128xi1>, vector<2048x128xf32>
    %broadcast_in_dim3A_147 = vector.broadcast %add3A_144 : i32 to vector<2048x128xi32>
    %select_n3A_148 = arith.select %gt3A_145, %select_n3A_131, %broadcast_in_dim3A_147 : vector<2048x128xi1>, vector<2048x128xi32>
    %select_n3A_149 = arith.select %gt3A_145, %slice3A_140, %select_n3A_129 : vector<2048x128xi1>, vector<2048x128xf32>
    %broadcast_in_dim3A_150 = vector.broadcast %add3A_144 : i32 to vector<2048x128xi32>
    %select_n3A_151 = arith.select %gt3A_145, %broadcast_in_dim3A_150, %select_n3A_131 : vector<2048x128xi1>, vector<2048x128xi32>
    %gt3A_152 = arith.cmpf ogt, %select_n3A_146, %select_n3A_135 : vector<2048x128xf32>
    %select_n3A_153 = arith.select %gt3A_152, %select_n3A_135, %select_n3A_146 : vector<2048x128xi1>, vector<2048x128xf32>
    %select_n3A_154 = arith.select %gt3A_152, %select_n3A_136, %select_n3A_148 : vector<2048x128xi1>, vector<2048x128xi32>
    %select_n3A_155 = arith.select %gt3A_152, %select_n3A_146, %select_n3A_135 : vector<2048x128xi1>, vector<2048x128xf32>
    %select_n3A_156 = arith.select %gt3A_152, %select_n3A_148, %select_n3A_136 : vector<2048x128xi1>, vector<2048x128xi32>
    %gt3A_157 = arith.cmpf ogt, %select_n3A_153, %select_n3A_138 : vector<2048x128xf32>
    %select_n3A_158 = arith.select %gt3A_157, %select_n3A_153, %select_n3A_138 : vector<2048x128xi1>, vector<2048x128xf32>
    %select_n3A_159 = arith.select %gt3A_157, %select_n3A_154, %select_n3A_139 : vector<2048x128xi1>, vector<2048x128xi32>
    %slice3A_160 = vector.extract_strided_slice %dot_general3A_7 {offsets = [0, 896], sizes = [2048, 128], strides = [1, 1]} : vector<2048x1024xf32> to vector<2048x128xf32>
    %mul3A_161 = arith.constant 8 : i32
    %mul3A_162 = arith.muli %arg1, %mul3A_161 : i32
    %add3A_163 = arith.constant 7 : i32
    %add3A_164 = arith.addi %mul3A_162, %add3A_163 : i32
    %gt3A_165 = arith.cmpf ogt, %slice3A_160, %select_n3A_149 : vector<2048x128xf32>
    %select_n3A_166 = arith.select %gt3A_165, %select_n3A_149, %slice3A_160 : vector<2048x128xi1>, vector<2048x128xf32>
    %broadcast_in_dim3A_167 = vector.broadcast %add3A_164 : i32 to vector<2048x128xi32>
    %select_n3A_168 = arith.select %gt3A_165, %select_n3A_151, %broadcast_in_dim3A_167 : vector<2048x128xi1>, vector<2048x128xi32>
    %select_n3A_169 = arith.select %gt3A_165, %slice3A_160, %select_n3A_149 : vector<2048x128xi1>, vector<2048x128xf32>
    %broadcast_in_dim3A_170 = vector.broadcast %add3A_164 : i32 to vector<2048x128xi32>
    %select_n3A_171 = arith.select %gt3A_165, %broadcast_in_dim3A_170, %select_n3A_151 : vector<2048x128xi1>, vector<2048x128xi32>
    %gt3A_172 = arith.cmpf ogt, %select_n3A_166, %select_n3A_155 : vector<2048x128xf32>
    %select_n3A_173 = arith.select %gt3A_172, %select_n3A_155, %select_n3A_166 : vector<2048x128xi1>, vector<2048x128xf32>
    %select_n3A_174 = arith.select %gt3A_172, %select_n3A_156, %select_n3A_168 : vector<2048x128xi1>, vector<2048x128xi32>
    %select_n3A_175 = arith.select %gt3A_172, %select_n3A_166, %select_n3A_155 : vector<2048x128xi1>, vector<2048x128xf32>
    %select_n3A_176 = arith.select %gt3A_172, %select_n3A_168, %select_n3A_156 : vector<2048x128xi1>, vector<2048x128xi32>
    %gt3A_177 = arith.cmpf ogt, %select_n3A_173, %select_n3A_158 : vector<2048x128xf32>
    %select_n3A_178 = arith.select %gt3A_177, %select_n3A_173, %select_n3A_158 : vector<2048x128xi1>, vector<2048x128xf32>
    %select_n3A_179 = arith.select %gt3A_177, %select_n3A_174, %select_n3A_159 : vector<2048x128xi1>, vector<2048x128xi32>
    %swap3A = arith.constant 0 : index
    %swap3A_180 = arith.constant 0 : index
    %swap3A_181 = vector.load %arg7[%swap3A, %swap3A_180] : memref<2048x128xf32, #tpu.memory_space<vmem>>, vector<2048x128xf32>
    tpu.vector_store %arg7[%swap3A, %swap3A_180], %select_n3A_169 {strides = array<i32>} : memref<2048x128xf32, #tpu.memory_space<vmem>>, vector<2048x128xf32>,
    %swap3A_182 = arith.constant 0 : index
    %swap3A_183 = arith.constant 0 : index
    %swap3A_184 = vector.load %arg8[%swap3A_182, %swap3A_183] : memref<2048x128xf32, #tpu.memory_space<vmem>>, vector<2048x128xf32>
    tpu.vector_store %arg8[%swap3A_182, %swap3A_183], %select_n3A_175 {strides = array<i32>} : memref<2048x128xf32, #tpu.memory_space<vmem>>, vector<2048x128xf32>,
    %swap3A_185 = arith.constant 0 : index
    %swap3A_186 = arith.constant 0 : index
    %swap3A_187 = vector.load %arg9[%swap3A_185, %swap3A_186] : memref<2048x128xf32, #tpu.memory_space<vmem>>, vector<2048x128xf32>
    tpu.vector_store %arg9[%swap3A_185, %swap3A_186], %select_n3A_178 {strides = array<i32>} : memref<2048x128xf32, #tpu.memory_space<vmem>>, vector<2048x128xf32>,
    %swap3A_188 = arith.constant 0 : index
    %swap3A_189 = arith.constant 0 : index
    %swap3A_190 = vector.load %arg10[%swap3A_188, %swap3A_189] : memref<2048x128xi32, #tpu.memory_space<vmem>>, vector<2048x128xi32>
    tpu.vector_store %arg10[%swap3A_188, %swap3A_189], %select_n3A_171 {strides = array<i32>} : memref<2048x128xi32, #tpu.memory_space<vmem>>, vector<2048x128xi32>,
    %swap3A_191 = arith.constant 0 : index
    %swap3A_192 = arith.constant 0 : index
    %swap3A_193 = vector.load %arg11[%swap3A_191, %swap3A_192] : memref<2048x128xi32, #tpu.memory_space<vmem>>, vector<2048x128xi32>
    tpu.vector_store %arg11[%swap3A_191, %swap3A_192], %select_n3A_176 {strides = array<i32>} : memref<2048x128xi32, #tpu.memory_space<vmem>>, vector<2048x128xi32>,
    %swap3A_194 = arith.constant 0 : index
    %swap3A_195 = arith.constant 0 : index
    %swap3A_196 = vector.load %arg12[%swap3A_194, %swap3A_195] : memref<2048x128xi32, #tpu.memory_space<vmem>>, vector<2048x128xi32>
    tpu.vector_store %arg12[%swap3A_194, %swap3A_195], %select_n3A_179 {strides = array<i32>} : memref<2048x128xi32, #tpu.memory_space<vmem>>, vector<2048x128xi32>,
    %eq3A_197 = arith.constant 97 : i32
    %eq3A_198 = arith.cmpi eq, %arg1, %eq3A_197 : i32
    %convert_element_type3A_199 = arith.extui %eq3A_198 : i1 to i32
    %cond3A_200 = arith.constant 0 : i32
    %cond3A_201 = arith.cmpi ne, %convert_element_type3A_199, %cond3A_200 : i32
    scf.if %cond3A_201 {
      %get3A_202 = arith.constant 0 : index
      %get3A_203 = arith.constant 0 : index
      %get3A_204 = vector.load %arg7[%get3A_202, %get3A_203] : memref<2048x128xf32, #tpu.memory_space<vmem>>, vector<2048x128xf32>
      %get3A_205 = arith.constant 0 : index
      %get3A_206 = arith.constant 0 : index
      %get3A_207 = vector.load %arg8[%get3A_205, %get3A_206] : memref<2048x128xf32, #tpu.memory_space<vmem>>, vector<2048x128xf32>
      %get3A_208 = arith.constant 0 : index
      %get3A_209 = arith.constant 0 : index
      %get3A_210 = vector.load %arg9[%get3A_208, %get3A_209] : memref<2048x128xf32, #tpu.memory_space<vmem>>, vector<2048x128xf32>
      %get3A_211 = arith.constant 0 : index
      %get3A_212 = arith.constant 0 : index
      %get3A_213 = vector.load %arg10[%get3A_211, %get3A_212] : memref<2048x128xi32, #tpu.memory_space<vmem>>, vector<2048x128xi32>
      %get3A_214 = arith.constant 0 : index
      %get3A_215 = arith.constant 0 : index
      %get3A_216 = vector.load %arg11[%get3A_214, %get3A_215] : memref<2048x128xi32, #tpu.memory_space<vmem>>, vector<2048x128xi32>
      %get3A_217 = arith.constant 0 : index
      %get3A_218 = arith.constant 0 : index
      %get3A_219 = vector.load %arg12[%get3A_217, %get3A_218] : memref<2048x128xi32, #tpu.memory_space<vmem>>, vector<2048x128xi32>
      %concatenate3A = tpu.concatenate %get3A_204, %get3A_207, %get3A_210 in 1 : vector<2048x128xf32>, vector<2048x128xf32>, vector<2048x128xf32> -> vector<2048x384xf32>
      %concatenate3A_220 = tpu.concatenate %get3A_213, %get3A_216, %get3A_219 in 1 : vector<2048x128xi32>, vector<2048x128xi32>, vector<2048x128xi32> -> vector<2048x384xi32>
      %mul3A_221 = arith.constant 128 : i32
      %mul3A_222 = vector.broadcast %mul3A_221 : i32 to vector<2048x384xi32>
      %mul3A_223 = arith.muli %concatenate3A_220, %mul3A_222 : vector<2048x384xi32>
      %concatenate3A_224 = tpu.concatenate %iota3A, %iota3A, %iota3A in 1 : vector<2048x128xi32>, vector<2048x128xi32>, vector<2048x128xi32> -> vector<2048x384xi32>
      %add3A_225 = arith.addi %mul3A_223, %concatenate3A_224 : vector<2048x384xi32>
      %iota3A_226 = tpu.iota {dimensions = array<i32: 1>} : vector<2048x384xi32>
      %reduce_max3A = arith.constant dense<0xFF800000> : vector<2048xf32>
      %reduce_max3A_227 = vector.multi_reduction <maximumf>, %concatenate3A, %reduce_max3A [1] : vector<2048x384xf32> to vector<2048xf32>
      %broadcast_in_dim3A_228 = vector.shape_cast %reduce_max3A_227 : vector<2048xf32> to vector<2048x1xf32>
      %eq3A_229 = vector.broadcast %broadcast_in_dim3A_228 : vector<2048x1xf32> to vector<2048x384xf32>
      %eq3A_230 = arith.cmpf oeq, %concatenate3A, %eq3A_229 : vector<2048x384xf32>
      %jit3A = arith.constant 384 : i32
      %broadcast_in_dim3A_231 = vector.broadcast %jit3A : i32 to vector<2048x384xi32>
      %select_n3A_232 = arith.select %eq3A_230, %iota3A_226, %broadcast_in_dim3A_231 : vector<2048x384xi1>, vector<2048x384xi32>
      %reduce_min3A = arith.constant dense<2147483647> : vector<2048xi32>
      %reduce_min3A_233 = vector.multi_reduction <minsi>, %select_n3A_232, %reduce_min3A [1] : vector<2048x384xi32> to vector<2048xi32>
      %broadcast_in_dim3A_234 = vector.shape_cast %reduce_min3A_233 : vector<2048xi32> to vector<2048x1xi32>
      %eq3A_235 = vector.broadcast %broadcast_in_dim3A_234 : vector<2048x1xi32> to vector<2048x384xi32>
      %eq3A_236 = arith.cmpi eq, %iota3A_226, %eq3A_235 : vector<2048x384xi32>
      %jit3A_237 = arith.constant -1 : i32
      %broadcast_in_dim3A_238 = vector.broadcast %jit3A_237 : i32 to vector<2048x384xi32>
      %select_n3A_239 = arith.select %eq3A_236, %add3A_225, %broadcast_in_dim3A_238 : vector<2048x384xi1>, vector<2048x384xi32>
      %reduce_max3A_240 = arith.constant dense<-2147483648> : vector<2048xi32>
      %reduce_max3A_241 = vector.multi_reduction <maxsi>, %select_n3A_239, %reduce_max3A_240 [1] : vector<2048x384xi32> to vector<2048xi32>
      %broadcast_in_dim3A_242 = vector.shape_cast %reduce_max3A_241 : vector<2048xi32> to vector<2048x1xi32>
      %min3A = arith.constant 99999 : i32
      %min3A_243 = vector.broadcast %min3A : i32 to vector<2048x1xi32>
      %min3A_244 = arith.minsi %broadcast_in_dim3A_242, %min3A_243 : vector<2048x1xi32>
      %reshape3A = vector.shape_cast %broadcast_in_dim3A_228 : vector<2048x1xf32> to vector<16x128xf32>
      %reshape3A_245 = vector.shape_cast %min3A_244 : vector<2048x1xi32> to vector<16x128xi32>
      %jit3A_246 = arith.constant -1.000000e+30 : f32
      %broadcast_in_dim3A_247 = vector.broadcast %jit3A_246 : f32 to vector<2048x384xf32>
      %select_n3A_248 = arith.select %eq3A_236, %broadcast_in_dim3A_247, %concatenate3A : vector<2048x384xi1>, vector<2048x384xf32>
      %reduce_max3A_249 = arith.constant dense<0xFF800000> : vector<2048xf32>
      %reduce_max3A_250 = vector.multi_reduction <maximumf>, %select_n3A_248, %reduce_max3A_249 [1] : vector<2048x384xf32> to vector<2048xf32>
      %broadcast_in_dim3A_251 = vector.shape_cast %reduce_max3A_250 : vector<2048xf32> to vector<2048x1xf32>
      %eq3A_252 = vector.broadcast %broadcast_in_dim3A_251 : vector<2048x1xf32> to vector<2048x384xf32>
      %eq3A_253 = arith.cmpf oeq, %select_n3A_248, %eq3A_252 : vector<2048x384xf32>
      %jit3A_254 = arith.constant 384 : i32
      %broadcast_in_dim3A_255 = vector.broadcast %jit3A_254 : i32 to vector<2048x384xi32>
      %select_n3A_256 = arith.select %eq3A_253, %iota3A_226, %broadcast_in_dim3A_255 : vector<2048x384xi1>, vector<2048x384xi32>
      %reduce_min3A_257 = arith.constant dense<2147483647> : vector<2048xi32>
      %reduce_min3A_258 = vector.multi_reduction <minsi>, %select_n3A_256, %reduce_min3A_257 [1] : vector<2048x384xi32> to vector<2048xi32>
      %broadcast_in_dim3A_259 = vector.shape_cast %reduce_min3A_258 : vector<2048xi32> to vector<2048x1xi32>
      %eq3A_260 = vector.broadcast %broadcast_in_dim3A_259 : vector<2048x1xi32> to vector<2048x384xi32>
      %eq3A_261 = arith.cmpi eq, %iota3A_226, %eq3A_260 : vector<2048x384xi32>
      %jit3A_262 = arith.constant -1 : i32
      %broadcast_in_dim3A_263 = vector.broadcast %jit3A_262 : i32 to vector<2048x384xi32>
      %select_n3A_264 = arith.select %eq3A_261, %add3A_225, %broadcast_in_dim3A_263 : vector<2048x384xi1>, vector<2048x384xi32>
      %reduce_max3A_265 = arith.constant dense<-2147483648> : vector<2048xi32>
      %reduce_max3A_266 = vector.multi_reduction <maxsi>, %select_n3A_264, %reduce_max3A_265 [1] : vector<2048x384xi32> to vector<2048xi32>
      %broadcast_in_dim3A_267 = vector.shape_cast %reduce_max3A_266 : vector<2048xi32> to vector<2048x1xi32>
      %min3A_268 = arith.constant 99999 : i32
      %min3A_269 = vector.broadcast %min3A_268 : i32 to vector<2048x1xi32>
      %min3A_270 = arith.minsi %broadcast_in_dim3A_267, %min3A_269 : vector<2048x1xi32>
      %reshape3A_271 = vector.shape_cast %broadcast_in_dim3A_251 : vector<2048x1xf32> to vector<16x128xf32>
      %reshape3A_272 = vector.shape_cast %min3A_270 : vector<2048x1xi32> to vector<16x128xi32>
      %jit3A_273 = arith.constant -1.000000e+30 : f32
      %broadcast_in_dim3A_274 = vector.broadcast %jit3A_273 : f32 to vector<2048x384xf32>
      %select_n3A_275 = arith.select %eq3A_261, %broadcast_in_dim3A_274, %select_n3A_248 : vector<2048x384xi1>, vector<2048x384xf32>
      %reduce_max3A_276 = arith.constant dense<0xFF800000> : vector<2048xf32>
      %reduce_max3A_277 = vector.multi_reduction <maximumf>, %select_n3A_275, %reduce_max3A_276 [1] : vector<2048x384xf32> to vector<2048xf32>
      %broadcast_in_dim3A_278 = vector.shape_cast %reduce_max3A_277 : vector<2048xf32> to vector<2048x1xf32>
      %eq3A_279 = vector.broadcast %broadcast_in_dim3A_278 : vector<2048x1xf32> to vector<2048x384xf32>
      %eq3A_280 = arith.cmpf oeq, %select_n3A_275, %eq3A_279 : vector<2048x384xf32>
      %jit3A_281 = arith.constant 384 : i32
      %broadcast_in_dim3A_282 = vector.broadcast %jit3A_281 : i32 to vector<2048x384xi32>
      %select_n3A_283 = arith.select %eq3A_280, %iota3A_226, %broadcast_in_dim3A_282 : vector<2048x384xi1>, vector<2048x384xi32>
      %reduce_min3A_284 = arith.constant dense<2147483647> : vector<2048xi32>
      %reduce_min3A_285 = vector.multi_reduction <minsi>, %select_n3A_283, %reduce_min3A_284 [1] : vector<2048x384xi32> to vector<2048xi32>
      %broadcast_in_dim3A_286 = vector.shape_cast %reduce_min3A_285 : vector<2048xi32> to vector<2048x1xi32>
      %eq3A_287 = vector.broadcast %broadcast_in_dim3A_286 : vector<2048x1xi32> to vector<2048x384xi32>
      %eq3A_288 = arith.cmpi eq, %iota3A_226, %eq3A_287 : vector<2048x384xi32>
      %jit3A_289 = arith.constant -1 : i32
      %broadcast_in_dim3A_290 = vector.broadcast %jit3A_289 : i32 to vector<2048x384xi32>
      %select_n3A_291 = arith.select %eq3A_288, %add3A_225, %broadcast_in_dim3A_290 : vector<2048x384xi1>, vector<2048x384xi32>
      %reduce_max3A_292 = arith.constant dense<-2147483648> : vector<2048xi32>
      %reduce_max3A_293 = vector.multi_reduction <maxsi>, %select_n3A_291, %reduce_max3A_292 [1] : vector<2048x384xi32> to vector<2048xi32>
      %broadcast_in_dim3A_294 = vector.shape_cast %reduce_max3A_293 : vector<2048xi32> to vector<2048x1xi32>
      %min3A_295 = arith.constant 99999 : i32
      %min3A_296 = vector.broadcast %min3A_295 : i32 to vector<2048x1xi32>
      %min3A_297 = arith.minsi %broadcast_in_dim3A_294, %min3A_296 : vector<2048x1xi32>
      %reshape3A_298 = vector.shape_cast %broadcast_in_dim3A_278 : vector<2048x1xf32> to vector<16x128xf32>
      %reshape3A_299 = vector.shape_cast %min3A_297 : vector<2048x1xi32> to vector<16x128xi32>
      %gt3A_300 = arith.constant 1.000000e-01 : f32
      %gt3A_301 = vector.broadcast %gt3A_300 : f32 to vector<16x128xf32>
      %gt3A_302 = arith.cmpf ogt, %reshape3A, %gt3A_301 : vector<16x128xf32>
      %jit3A_303 = arith.constant 0.000000e+00 : f32
      %broadcast_in_dim3A_304 = vector.broadcast %jit3A_303 : f32 to vector<16x128xf32>
      %select_n3A_305 = arith.select %gt3A_302, %reshape3A, %broadcast_in_dim3A_304 : vector<16x128xi1>, vector<16x128xf32>
      %gt3A_306 = arith.constant 1.000000e-01 : f32
      %gt3A_307 = vector.broadcast %gt3A_306 : f32 to vector<16x128xf32>
      %gt3A_308 = arith.cmpf ogt, %reshape3A_271, %gt3A_307 : vector<16x128xf32>
      %jit3A_309 = arith.constant 0.000000e+00 : f32
      %broadcast_in_dim3A_310 = vector.broadcast %jit3A_309 : f32 to vector<16x128xf32>
      %select_n3A_311 = arith.select %gt3A_308, %reshape3A_271, %broadcast_in_dim3A_310 : vector<16x128xi1>, vector<16x128xf32>
      %gt3A_312 = arith.constant 1.000000e-01 : f32
      %gt3A_313 = vector.broadcast %gt3A_312 : f32 to vector<16x128xf32>
      %gt3A_314 = arith.cmpf ogt, %reshape3A_298, %gt3A_313 : vector<16x128xf32>
      %jit3A_315 = arith.constant 0.000000e+00 : f32
      %broadcast_in_dim3A_316 = vector.broadcast %jit3A_315 : f32 to vector<16x128xf32>
      %select_n3A_317 = arith.select %gt3A_314, %reshape3A_298, %broadcast_in_dim3A_316 : vector<16x128xi1>, vector<16x128xf32>
      %add3A_318 = arith.addf %select_n3A_305, %select_n3A_311 : vector<16x128xf32>
      %add3A_319 = arith.addf %add3A_318, %select_n3A_317 : vector<16x128xf32>
      %add3A_320 = arith.constant 9.99999993E-9 : f32
      %add3A_321 = vector.broadcast %add3A_320 : f32 to vector<16x128xf32>
      %add3A_322 = arith.addf %add3A_319, %add3A_321 : vector<16x128xf32>
      %div3A = arith.divf %select_n3A_305, %add3A_322 : vector<16x128xf32>
      %swap3A_323 = arith.constant 0 : index
      %swap3A_324 = arith.constant 0 : index
      %swap3A_325 = arith.constant 0 : index
      %swap3A_326 = vector.load %arg4[%swap3A_323, %swap3A_324, %swap3A_325] : memref<3x16x128xf32, #tpu.memory_space<vmem>>, vector<1x16x128xf32>
      %swap3A_327 = vector.shape_cast %swap3A_326 : vector<1x16x128xf32> to vector<16x128xf32>
      %swap3A_328 = vector.shape_cast %div3A : vector<16x128xf32> to vector<1x16x128xf32>
      tpu.vector_store %arg4[%swap3A_323, %swap3A_324, %swap3A_325], %swap3A_328 {strides = array<i32>} : memref<3x16x128xf32, #tpu.memory_space<vmem>>, vector<1x16x128xf32>,
      %swap3A_329 = arith.constant 0 : index
      %swap3A_330 = arith.constant 0 : index
      %swap3A_331 = arith.constant 0 : index
      %swap3A_332 = vector.load %arg5[%swap3A_329, %swap3A_330, %swap3A_331] : memref<3x16x128xi32, #tpu.memory_space<vmem>>, vector<1x16x128xi32>
      %swap3A_333 = vector.shape_cast %swap3A_332 : vector<1x16x128xi32> to vector<16x128xi32>
      %swap3A_334 = vector.shape_cast %reshape3A_245 : vector<16x128xi32> to vector<1x16x128xi32>
      tpu.vector_store %arg5[%swap3A_329, %swap3A_330, %swap3A_331], %swap3A_334 {strides = array<i32>} : memref<3x16x128xi32, #tpu.memory_space<vmem>>, vector<1x16x128xi32>,
      %div3A_335 = arith.divf %select_n3A_311, %add3A_322 : vector<16x128xf32>
      %swap3A_336 = arith.constant 1 : index
      %swap3A_337 = arith.constant 0 : index
      %swap3A_338 = arith.constant 0 : index
      %swap3A_339 = vector.load %arg4[%swap3A_336, %swap3A_337, %swap3A_338] : memref<3x16x128xf32, #tpu.memory_space<vmem>>, vector<1x16x128xf32>
      %swap3A_340 = vector.shape_cast %swap3A_339 : vector<1x16x128xf32> to vector<16x128xf32>
      %swap3A_341 = vector.shape_cast %div3A_335 : vector<16x128xf32> to vector<1x16x128xf32>
      tpu.vector_store %arg4[%swap3A_336, %swap3A_337, %swap3A_338], %swap3A_341 {strides = array<i32>} : memref<3x16x128xf32, #tpu.memory_space<vmem>>, vector<1x16x128xf32>,
      %swap3A_342 = arith.constant 1 : index
      %swap3A_343 = arith.constant 0 : index
      %swap3A_344 = arith.constant 0 : index
      %swap3A_345 = vector.load %arg5[%swap3A_342, %swap3A_343, %swap3A_344] : memref<3x16x128xi32, #tpu.memory_space<vmem>>, vector<1x16x128xi32>
      %swap3A_346 = vector.shape_cast %swap3A_345 : vector<1x16x128xi32> to vector<16x128xi32>
      %swap3A_347 = vector.shape_cast %reshape3A_272 : vector<16x128xi32> to vector<1x16x128xi32>
      tpu.vector_store %arg5[%swap3A_342, %swap3A_343, %swap3A_344], %swap3A_347 {strides = array<i32>} : memref<3x16x128xi32, #tpu.memory_space<vmem>>, vector<1x16x128xi32>,
      %div3A_348 = arith.divf %select_n3A_317, %add3A_322 : vector<16x128xf32>
      %swap3A_349 = arith.constant 2 : index
      %swap3A_350 = arith.constant 0 : index
      %swap3A_351 = arith.constant 0 : index
      %swap3A_352 = vector.load %arg4[%swap3A_349, %swap3A_350, %swap3A_351] : memref<3x16x128xf32, #tpu.memory_space<vmem>>, vector<1x16x128xf32>
      %swap3A_353 = vector.shape_cast %swap3A_352 : vector<1x16x128xf32> to vector<16x128xf32>
      %swap3A_354 = vector.shape_cast %div3A_348 : vector<16x128xf32> to vector<1x16x128xf32>
      tpu.vector_store %arg4[%swap3A_349, %swap3A_350, %swap3A_351], %swap3A_354 {strides = array<i32>} : memref<3x16x128xf32, #tpu.memory_space<vmem>>, vector<1x16x128xf32>,
      %swap3A_355 = arith.constant 2 : index
      %swap3A_356 = arith.constant 0 : index
      %swap3A_357 = arith.constant 0 : index
      %swap3A_358 = vector.load %arg5[%swap3A_355, %swap3A_356, %swap3A_357] : memref<3x16x128xi32, #tpu.memory_space<vmem>>, vector<1x16x128xi32>
      %swap3A_359 = vector.shape_cast %swap3A_358 : vector<1x16x128xi32> to vector<16x128xi32>
      %swap3A_360 = vector.shape_cast %reshape3A_299 : vector<16x128xi32> to vector<1x16x128xi32>
      tpu.vector_store %arg5[%swap3A_355, %swap3A_356, %swap3A_357], %swap3A_360 {strides = array<i32>} : memref<3x16x128xi32, #tpu.memory_space<vmem>>, vector<1x16x128xi32>,
    } else {
    }
    return
  }
  func.func @transform_0(%arg0: i32, %arg1: i32) -> (i32, i32) {
    %c0_i32 = arith.constant 0 : i32
    %c0_i32_0 = arith.constant 0 : i32
    return %arg0, %c0_i32 : i32, i32
  }
  func.func @transform_1(%arg0: i32, %arg1: i32) -> (i32, i32) {
    %c0_i32 = arith.constant 0 : i32
    %c0_i32_0 = arith.constant 0 : i32
    return %c0_i32, %arg1 : i32, i32
  }
  func.func @transform_2(%arg0: i32, %arg1: i32) -> (i32, i32, i32) {
    %c0_i32 = arith.constant 0 : i32
    %c0_i32_0 = arith.constant 0 : i32
    %c0_i32_1 = arith.constant 0 : i32
    return %c0_i32, %arg0, %c0_i32_0 : i32, i32, i32
  }
  func.func @transform_3(%arg0: i32, %arg1: i32) -> (i32, i32, i32) {
    %c0_i32 = arith.constant 0 : i32
    %c0_i32_0 = arith.constant 0 : i32
    %c0_i32_1 = arith.constant 0 : i32
    return %c0_i32, %arg0, %c0_i32_0 : i32, i32, i32
  }
}

module attributes {stable_mosaic.version = 14 : i64} {
  func.func @_combine_kernel(%arg0: i32, %arg1: memref<1024x3xf32, #tpu.memory_space<vmem>>, %arg2: memref<1024x256xf32, #tpu.memory_space<vmem>>, %arg3: memref<1024x256xf32, #tpu.memory_space<vmem>>, %arg4: memref<1024x256xf32, #tpu.memory_space<vmem>>, %arg5: memref<1024x256xf32, #tpu.memory_space<vmem>>) attributes {dimension_semantics = [#tpu.dimension_semantics<arbitrary>], iteration_bounds = array<i64: 4>, scalar_prefetch = 0 : i64, scratch_operands = 0 : i64, tpu.core_type = #tpu.core_type<tc>, window_params = [{transform_indices = @transform_0, window_bounds = array<i64: 1024, 3>}, {transform_indices = @transform_1, window_bounds = array<i64: 1024, 256>}, {transform_indices = @transform_2, window_bounds = array<i64: 1024, 256>}, {transform_indices = @transform_3, window_bounds = array<i64: 1024, 256>}, {transform_indices = @transform_4, window_bounds = array<i64: 1024, 256>}]} {
    %get3A = arith.constant 0 : index
    %get3A_0 = arith.constant 0 : index
    %get3A_1 = vector.load %arg1[%get3A, %get3A_0] : memref<1024x3xf32, #tpu.memory_space<vmem>>, vector<1024x3xf32>
    %slice3A = vector.extract_strided_slice %get3A_1 {offsets = [0, 0], sizes = [1024, 1], strides = [1, 1]} : vector<1024x3xf32> to vector<1024x1xf32>
    %get3A_2 = arith.constant 0 : index
    %get3A_3 = arith.constant 0 : index
    %get3A_4 = vector.load %arg2[%get3A_2, %get3A_3] : memref<1024x256xf32, #tpu.memory_space<vmem>>, vector<1024x256xf32>
    %mul3A = vector.broadcast %slice3A : vector<1024x1xf32> to vector<1024x256xf32>
    %mul3A_5 = arith.mulf %mul3A, %get3A_4 : vector<1024x256xf32>
    %slice3A_6 = vector.extract_strided_slice %get3A_1 {offsets = [0, 1], sizes = [1024, 1], strides = [1, 1]} : vector<1024x3xf32> to vector<1024x1xf32>
    %get3A_7 = arith.constant 0 : index
    %get3A_8 = arith.constant 0 : index
    %get3A_9 = vector.load %arg3[%get3A_7, %get3A_8] : memref<1024x256xf32, #tpu.memory_space<vmem>>, vector<1024x256xf32>
    %mul3A_10 = vector.broadcast %slice3A_6 : vector<1024x1xf32> to vector<1024x256xf32>
    %mul3A_11 = arith.mulf %mul3A_10, %get3A_9 : vector<1024x256xf32>
    %add3A = arith.addf %mul3A_5, %mul3A_11 : vector<1024x256xf32>
    %slice3A_12 = vector.extract_strided_slice %get3A_1 {offsets = [0, 2], sizes = [1024, 1], strides = [1, 1]} : vector<1024x3xf32> to vector<1024x1xf32>
    %get3A_13 = arith.constant 0 : index
    %get3A_14 = arith.constant 0 : index
    %get3A_15 = vector.load %arg4[%get3A_13, %get3A_14] : memref<1024x256xf32, #tpu.memory_space<vmem>>, vector<1024x256xf32>
    %mul3A_16 = vector.broadcast %slice3A_12 : vector<1024x1xf32> to vector<1024x256xf32>
    %mul3A_17 = arith.mulf %mul3A_16, %get3A_15 : vector<1024x256xf32>
    %add3A_18 = arith.addf %add3A, %mul3A_17 : vector<1024x256xf32>
    %mul3A_19 = arith.constant 3.000000e-01 : f32
    %mul3A_20 = vector.broadcast %mul3A_19 : f32 to vector<1024x256xf32>
    %mul3A_21 = arith.mulf %mul3A_20, %add3A_18 : vector<1024x256xf32>
    %swap3A = arith.constant 0 : index
    %swap3A_22 = arith.constant 0 : index
    %swap3A_23 = vector.load %arg5[%swap3A, %swap3A_22] : memref<1024x256xf32, #tpu.memory_space<vmem>>, vector<1024x256xf32>
    tpu.vector_store %arg5[%swap3A, %swap3A_22], %mul3A_21 {strides = array<i32>} : memref<1024x256xf32, #tpu.memory_space<vmem>>, vector<1024x256xf32>,
    return
  }
  func.func @transform_0(%arg0: i32) -> (i32, i32) {
    %c0_i32 = arith.constant 0 : i32
    %c0_i32_0 = arith.constant 0 : i32
    return %arg0, %c0_i32 : i32, i32
  }
  func.func @transform_1(%arg0: i32) -> (i32, i32) {
    %c0_i32 = arith.constant 0 : i32
    %c0_i32_0 = arith.constant 0 : i32
    return %arg0, %c0_i32 : i32, i32
  }
  func.func @transform_2(%arg0: i32) -> (i32, i32) {
    %c0_i32 = arith.constant 0 : i32
    %c0_i32_0 = arith.constant 0 : i32
    return %arg0, %c0_i32 : i32, i32
  }
  func.func @transform_3(%arg0: i32) -> (i32, i32) {
    %c0_i32 = arith.constant 0 : i32
    %c0_i32_0 = arith.constant 0 : i32
    return %arg0, %c0_i32 : i32, i32
  }
  func.func @transform_4(%arg0: i32) -> (i32, i32) {
    %c0_i32 = arith.constant 0 : i32
    %c0_i32_0 = arith.constant 0 : i32
    return %arg0, %c0_i32 : i32, i32
  }
}

</mosaic_0001>

<sc_bundles>
// kernel: kernel.6.cloned.1.call-start
scs
__scs_entry_jumppad:
0x0: {  	(pc) =	sbr.rel $0x88, $3  }
0x1: {  	(tag) =	ssettag $0x0;
	lr =	simm.s32 $0x1  }
0x2: {  	[smem:$0x3F9E] =	sst lr;
	_ =	strace $0xD0000000  }
0x3: {  	_ = 	snop  }
0x4: {  	_ = 	snop  }
0x5: {  	_ = 	snop  }
0x6: {  	_ = 	snop  }
0x7: {  	_ = 	snop  }
__scs_overlays_trampoline_lowered:
0x8: {  	[smem:$0x3FAD] =	sst s0  }
0x9: {  	[smem:$0x3FAE] =	sst s1  }
0xa: {  	[smem:$0x3FAF] =	sst s2  }
0xb: {  	[smem:$0x3FB0] =	sst s3  }
0xc: {  	[smem:$0x3FB1] =	sst s4  }
0xd: {  	[smem:$0x3FB2] =	sst s5  }
0xe: {  	[smem:$0x3FB3] =	sst s6  }
0xf: {  	[smem:$0x3FB4] =	sst s7  }
0x10: {  	[smem:$0x3FB5] =	sst s8  }
0x11: {  	[smem:$0x3FB6] =	sst s9;
	s0 =	simm.s32 @!p0 $0x0  }
0x12: {  	s1 =	sld [smem:$0x3F9C];
	s0 =	simm.s32 @p0 $0x1  }
0x13: {  	[smem:$0x3FB7] =	sst s0;
	s0 =	simm.s32 @!p1 $0x0  }
0x14: {  	s2 =	sld [smem:$0x3F9B];
	s0 =	simm.s32 @p1 $0x1  }
0x15: {  	[smem:$0x3FB8] =	sst s0;
	s0 =	simm.s32 @!p2 $0x0  }
0x16: {  	s3 =	sld [smem:$0x3FDB];
	s0 =	simm.s32 @p2 $0x1  }
0x17: {  	s4 =	simm.s32 $0x1BF5;
	[smem:$0x3FBA] =	sst s0  }
0x18: {  	s0 =	sld [smem:$0x3F9D];
	_ =	swait.ge [sflag:s4], $0x0  }
0x19: {  	s7 =	sld [smem:$0x3F9E]  }
0x1a: {  	s8 =	sadd.s32 $0xFFFFE003, lr  }
0x1b: {  	s9 =	sadd.s32 $0xFFFFFEF7, lr;
	s5 =	simm.s32 $0xFFFFFFFF;
	p2 =	slt.u32 s8, $0xFFFFF086  }
0x1c: {  	p1 =	slt.u32 s9, $0xF7A;
	s5 =	simm.s32 @!p2 $0x0  }
0x1d: {  	s5 =	simm.s32 @p1 $0x1;
	p0 =	seq.s32 s7, s2  }
0x1e: {  	s7 =	smul.u32 @!p0 $0xF7A, s2;
	p2 =	seq.s32 @!p0 s5, $0x0  }
0x1f: {  	s9 =	smul.u32 $0xF7A, s1;
	s8 =	simm.s32 @!p0 $0x1BF5;
	p2 =	por !p2, p0  }
0x20: {  	[sflag:s8] =	ssyncset.s32 @!p0 $0xFFFFF086;
	s6 =	sadd.s32 @!p0 s3, s7;
	s7 =	simm.s32 @!p0 $0x108  }
0x21: {  	s3 =	sadd.s32 s3, s9;
	s6 =	sadd.s32 @!p0 $0x88, s6;
	s7 =	simm.s32 @p2 $0x1082  }
0x22: {  	[simem:s7], [sflag:s8] =	dma.local @!p0 [hbm:s6], $0xF7A  }
0x23: {  	s9 =	sor.u32 $0xD0000000, s2;
	s6 =	simm.s32 $0x108;
	_ =	swait.ge @!p0 [sflag:s8], $0x0  }
0x24: {  	s3 =	sadd.s32 $0x88, s3;
	s6 =	simm.s32 @!p1 $0x1082;
	[sflag:s4] =	ssyncset.s32 $0xFFFFF086  }
0x25: {  	[simem:s6], [sflag:s4] =	dma.local [hbm:s3], $0xF7A  }
0x26: {  	[smem:$0x3F9E] =	sst s1;
	(tag) =	ssettag s2;
	_ =	strace s9  }
0x27: {  	s1 =	sld [smem:$0x3FAE]  }
0x28: {  	s2 =	sld [smem:$0x3FAF]  }
0x29: {  	s4 =	sld [smem:$0x3FB1]  }
0x2a: {  	p0 =	seq.s32 s5, $0x0;
	s5 =	sld [smem:$0x3FB2]  }
0x2b: {  	s6 =	sld [smem:$0x3FB3]  }
0x2c: {  	s7 =	sld [smem:$0x3FB4]  }
0x2d: {  	s3 =	simm.s32 $0x108;
	s8 =	sld [smem:$0x3FB5]  }
0x2e: {  	s3 =	simm.s32 @!p0 $0x1082;
	s9 =	sld [smem:$0x3FB6]  }
0x2f: {  	lr =	sadd.s32 s0, s3;
	s0 =	sld [smem:$0x3FAD]  }
0x30: {  	s3 =	sld [smem:$0x3FB0]  }
0x31: {  	[smem:$0x3FB9] =	sst s10  }
0x32: {  	s10 =	sld [smem:$0x3FB7];
	_ =	sdelay $0x3  }
0x33: {  	p0 =	seq.s32 s10, $0x1;
	s10 =	sld [smem:$0x3FB9];
	_ =	sdelay $0x3  }
0x34: {  	[smem:$0x3FB9] =	sst s10  }
0x35: {  	s10 =	sld [smem:$0x3FB8];
	_ =	sdelay $0x3  }
0x36: {  	p1 =	seq.s32 s10, $0x1;
	s10 =	sld [smem:$0x3FB9];
	_ =	sdelay $0x3  }
0x37: {  	[smem:$0x3FB9] =	sst s10  }
0x38: {  	s10 =	sld [smem:$0x3FBA]  }
0x39: {  	_ = 	snop;
	(pc) =	sbr.ind lr, $3  }
0x3a: {  	_ = 	snop  }
0x3b: {  	_ = 	snop  }
0x3c: {  	p2 =	seq.s32 s10, $0x1;
	s10 =	sld [smem:$0x3FB9]  }
0x3d: {  	_ =	shalt  }
0x3e: {  	_ =	shalt  }
0x3f: {  	_ =	shalt  }
0x40: {  	_ =	shalt  }
0x41: {  	_ =	shalt  }
0x42: {  	_ =	shalt  }
0x43: {  	_ =	shalt  }
0x44: {  	_ =	shalt  }
0x45: {  	_ =	shalt  }
0x46: {  	_ =	shalt  }
0x47: {  	_ =	shalt  }
0x48: {  	_ =	shalt  }
0x49: {  	_ =	shalt  }
0x4a: {  	_ =	shalt  }
0x4b: {  	_ =	shalt  }
0x4c: {  	_ =	shalt  }
0x4d: {  	_ =	shalt  }
0x4e: {  	_ =	shalt  }
0x4f: {  	_ =	shalt  }
0x50: {  	_ =	shalt  }
0x51: {  	_ =	shalt  }
0x52: {  	_ =	shalt  }
0x53: {  	_ =	shalt  }
0x54: {  	_ =	shalt  }
0x55: {  	_ =	shalt  }
0x56: {  	_ =	shalt  }
0x57: {  	_ =	shalt  }
0x58: {  	_ =	shalt  }
0x59: {  	_ =	shalt  }
0x5a: {  	_ =	shalt  }
0x5b: {  	_ =	shalt  }
0x5c: {  	_ =	shalt  }
0x5d: {  	_ =	shalt  }
0x5e: {  	_ =	shalt  }
0x5f: {  	_ =	shalt  }
0x60: {  	_ =	shalt  }
0x61: {  	_ =	shalt  }
0x62: {  	_ =	shalt  }
0x63: {  	_ =	shalt  }
0x64: {  	_ =	shalt  }
0x65: {  	_ =	shalt  }
0x66: {  	_ =	shalt  }
0x67: {  	_ =	shalt  }
0x68: {  	_ =	shalt  }
0x69: {  	_ =	shalt  }
0x6a: {  	_ =	shalt  }
0x6b: {  	_ =	shalt  }
0x6c: {  	_ =	shalt  }
0x6d: {  	_ =	shalt  }
0x6e: {  	_ =	shalt  }
0x6f: {  	_ =	shalt  }
0x70: {  	_ =	shalt  }
0x71: {  	_ =	shalt  }
0x72: {  	_ =	shalt  }
0x73: {  	_ =	shalt  }
0x74: {  	_ =	shalt  }
0x75: {  	_ =	shalt  }
0x76: {  	_ =	shalt  }
0x77: {  	_ =	shalt  }
0x78: {  	_ =	shalt  }
0x79: {  	_ =	shalt  }
0x7a: {  	_ =	shalt  }
0x7b: {  	_ =	shalt  }
0x7c: {  	_ =	shalt  }
0x7d: {  	_ =	shalt  }
0x7e: {  	_ =	shalt  }
0x7f: {  	_ =	shalt  }
0x80: {  	_ =	shalt  }
0x81: {  	_ =	shalt  }
0x82: {  	_ =	shalt  }
0x83: {  	_ =	shalt  }
0x84: {  	_ =	shalt  }
0x85: {  	_ =	shalt  }
0x86: {  	_ =	shalt  }
0x87: {  	_ =	shalt  }
.Lfunc_end0:
.L_simem_size_0:
called_computation_lowered:
.L_overlay_start_0:
0x88: {  	s2 =	sld [smem:$0x3FD9]  }
0x89: {  	s3 =	sld [smem:$0x3FFE];
	_ =	sdelay $0x1  }
0x8a: {  	s1 =	srdreg.scid  }
0x8b: {  	s0 =	sand.u32 $0x1, s1  }
0x8c: {  	s17 =	sshll.u32 s0, $0xA;
	s2 =	sadd.s32 s3, s2  }
0x8d: {  	s2 =	sadd.s32 s2, s17  }
0x8e: {  	[smem:$0x3FC5] =	sst s2  }
0x8f: {  	_ = 	snop  }
0x90: {  	s2 =	sld [smem:$0x3FC7]  }
0x91: {  	s18 =	sld [smem:$0x3FD0];
	(tm) =	ssettm $0x1  }
0x92: {  	s4 =	sld [smem:$0x3FFB];
	_ =	sdelay $0x3  }
0x93: {  	_ =	strace s4  }
0x94: {  	s4 =	sld [smem:$0x3FFC];
	_ =	sdelay $0x3  }
0x95: {  	_ =	strace s4  }
0x96: {  	s4 =	sld [smem:$0x3FFD];
	_ =	sdelay $0x3  }
0x97: {  	_ =	strace s4  }
0x98: {  	_ =	strace $0x8FFFFFFF  }
0x99: {  	s19 =	sld [smem:$0x3FDB];
	_ =	sdelay $0x1  }
0x9a: {  	s5 =	simm.s32 $_scs_section_size  }
0x9b: {  	s6 =	simm.s32 $_size__tile_overlayer_lowered;
	s7 =	simm.s32 $_tile_overlayer_lowered  }
0x9c: {  	s22 =	simm.s32 $0x1BFF;
	s21 =	sshll.u32 s7, $0x1;
	s4 =	sadd.s32 s5, s19  }
0x9d: {  	s8 =	simm.s32 $0x0;
	s20 =	sshll.u32 s6, $0x1;
	s6 =	sadd.s32 s21, s4  }
0x9e: {  	[timem:s8], [sflag:s22] =	dma.local [hbm:s6], s20  }
0x9f: {  	_ =	swait.ge [sflag:s22], s20  }
0xa0: {  	s5 =	ssub.s32 $0x0, s20;
	[sflag:s22] =	ssyncset.done $0x0  }
0xa1: {  	[sflag:s22] =	ssyncadd.s32 s5;
	_ =	sdelay $0x1  }
0xa2: {  	s23 =	simm.s32 $0x1B8B  }
0xa3: {  	_ =	swait.ge [sflag:s23], $0x1  }
0xa4: {  	[sflag:s23] =	ssyncset.done $0x0  }
0xa5: {  	s25 =	simm.s32 $0x1B8E;
	s24 =	sld [smem:$0x3FFE];
	[sflag:s23] =	ssyncadd.s32 $0xFFFFFFFF  }
0xa6: {  	s26 =	simm.s32 $execute0_lowered;
	[smem:$0x3FD2] =	sst s25  }
0xa7: {  	s6 =	sshll.u32 s26, $0x1;
	_ =	strace $0x80000046;
	[dreg:$0x1] =	wrdreg $0xFFFFFFFF  }
0xa8: {  	s28 =	simm.s32 $_size_execute0_lowered;
	s4 =	sadd.s32 s4, s6;
	[dreg:$0x0] =	wrdreg $0x0  }
0xa9: {  	s6 =	sshll.u32 s28, $0x1;
	[dreg:$0x2] =	wrdreg s4  }
0xaa: {  	[dreg:$0x3] =	wrdreg s6  }
0xab: {  	[dreg:$0x4] =	wrdreg $0xC0  }
0xac: {  	_ =	task [dreg:s8], $0x5FFFF  }
0xad: {  	[dreg:$0x1] =	wrdreg $0xFFFFFFFF  }
0xae: {  	[dreg:$0x0] =	wrdreg $0x60  }
0xaf: {  	[dreg:$0x2] =	wrdreg s2  }
0xb0: {  	[dreg:$0x3] =	wrdreg s18  }
0xb1: {  	[dreg:$0x4] =	wrdreg s24  }
0xb2: {  	[dreg:$0x5] =	wrdreg $0x9  }
0xb3: {  	_ =	task.clear_ibuf [dreg:s8], $0x6FFFF;
	_ =	strace $0x90000046  }
0xb4: {  	s29 =	simm.s32 $0x9;
	_ =	strace $0x8000004F  }
0xb5: {  	_ =	swait.ge [sflag:s29], $0x1  }
0xb6: {  	[sflag:s29] =	ssyncadd.s32 $0xFFFFFFFF  }
0xb7: {  	_ =	strace $0x9000004F  }
0xb8: {  	_ =	sfence  }
0xb9: {  	s30 =	sld [smem:$0x0];
	_ =	sdelay $0x2  }
0xba: {  	s31 =	sshll.u32 s1, $0xD;
	s1 =	sshrl.u32 s1, $0x2  }
0xbb: {  	s3 =	sand.u32 $0x4000, s31;
	s1 =	sadd.s32 s1, s30  }
0xbc: {  	s0 =	sor.u32 s3, s0;
	s1 =	sshll.u32 s1, $0x11  }
0xbd: {  	s0 =	sor.u32 s1, s0  }
0xbe: {  	s0 =	sadd.s32 $0x8F2B, s0  }
0xbf: {  	[sflag:s0] =	ssyncadd.remote.s32 $0x1  }
0xc0: {  	_ =	sfence.sel $0xFFFF  }
0xc1: {  	[dreg:$0x0] =	wrdreg $0xFFFFFFFF;
	(pc) =	sbr.abs _section_cstart, $3  }
0xc2: {  	[dreg:$0x1] =	wrdreg $0xFFFFFFFF  }
0xc3: {  	_ =	task.clear_ibuf [dreg:s8], $0x2FFFF;
	_ =	strace $0x9FFFFFFF  }
0xc4: {  	(tm) =	ssettm $0x7FFFFFFF  }
0xc5: {  	_ =	shalt  }
tec
execute0_lowered:
.L_overlay_start_1:
0x0: {  	(tag) =	ssettag $0x1  }
0x1: {  	s1 =	rddreg [dreg:$0x0]  }
0x2: {  	s2 =	rddreg [dreg:$0x1]  }
0x3: {  	s5 =	rddreg [dreg:$0x2]  }
0x4: {  	s0 =	rddreg [dreg:$0x3]  }
0x5: {  	s3 =	simm.s32 $0x0;
	s4 =	srdreg.scid;
	s9 =	simm.s32 $0x4  }
0x6: {  	s10 =	simm.s32 $0x0;
	[smem:$0x7FF] =	sst s3;
	s6 =	sand.u32 $0x1, s4  }
0x7: {  	s4 =	stileid.u32;
	s5 =	sadd.s32 $0xE00, s5;
	s6 =	ssub.s32 $0x2, s6  }
0x8: {  	v2 =	vlaneseq.u32;
	_ =	strace $0x80000047;
	s8 =	smul.u32 $0x60, s4;
	s7 =	sshrl.u32 s6, $0x1  }
0x9: {  	vm0 =	vmmov $0xffff;
	v1 =	vshrl.u32 v2, $0x3;
	[dreg:$0x4] =	wrdreg s5;
	s5 =	smul.u32 $0x6, s4;
	s7 =	ssub.s32 s6, s7  }
0xa: {  	v0 =	vand.u32 $0x7, v2;
	v2 =	vor.u32 $0x8, v2;
	v1 =	vmul.u32 $0x8, v1;
	s6 =	sadd.s32 s2, s8;
	s8 =	simm.s32 $0x5;
	s7 =	smax.u32 s7, $0x1  }
.LBB2_1:
0xb: {  	_ =	strace $0x80000048;
	s11 =	simm.s32 $0x6  }
0xc: {  	s12 =	simm.s32 $0x0;
	s13 =	simm.s32 $0x0;
	s14 =	simm.s32 $0x0  }
0xd: {  	[tilespmem:s3], [sflag:$0x1] =	stream.linear.gather [hbm4b:s6+s3], $0x80, $0x200038;
	[tilespmem:$0x10100] =	vst v63  }
0xe: {  	s15 =	simm.s32 $0x0;
	s16 =	simm.s32 $0x1;
	_ =	strace $0x90000048  }
.LBB2_2:
0xf: {  	s17 =	smov.u32 s12;
	s12 =	sadd.s32 $0x1, s12  }
0x10: {  	p0 =	seq.s32 s12, $0x6  }
0x11: {  	s12 =	simm.s32 @p0 $0x0  }
0x12: {  	p6 =	sne.s32 s11, $0x1;
	p1 =	sne.s32 s17, s12  }
0x13: {  	p0 =	por !p6, !p1  }
0x14: {  	p0 =	por !p0, !p0  }
0x15: {  	s18 =	sadd.s32 @p0 s5, s12  }
0x16: {  	s19 =	sand.u32 @p0 $0x1, s16;
	s18 =	sshll.u32 @p0 s18, $0x4  }
0x17: {  	_ =	strace @p0 $0x80000049;
	s21 =	simm.s32 @p0 $0x0;
	s18 =	sand.u32 @p0 $0x1FFFFFF0, s18  }
0x18: {  	s20 =	sshll.u32 @p0 s19, $0x7;
	s19 =	sadd.s32 @p0 $0x1, s19;
	s18 =	sadd.s32 @p0 s2, s18  }
0x19: {  	[tilespmem:s20], [sflag:s19] =	stream.linear.gather @p0 [hbm4b:s18+s21], $0x80, $0x200038;
	[tilespmem:$0x10100] =	vst v63  }
0x1a: {  	s24 =	sand.u32 $0x1, s15;
	_ =	strace @p0 $0x90000049  }
0x1b: {  	s18 =	sadd.s32 $0x1, s24;
	_ =	strace $0x8000004A  }
0x1c: {  	_ =	swait.ge [sflag:s18], $0x80  }
0x1d: {  	[sflag:s18] =	ssyncset.done $0x0  }
0x1e: {  	[sflag:s18] =	ssyncadd.s32 $0xFFFFFF80  }
0x1f: {  	s25 =	sshll.u32 s15, $0x7;
	_ =	strace $0x9000004A  }
0x20: {  	s21 =	sand.u32 $0x80, s25;
	_ =	strace $0x8000004B  }
0x21: {  	v3 =	vld [tilespmem:s21+$0x0];
	_ =	sdelay $0x4  }
0x22: {  	v4 =	vshll.u32 v3, $0x1  }
0x23: {  	v3 =	vand.u32 $0x7, v3;
	v4 =	vand.u32 $0xFFFFFFF0, v4  }
0x24: {  	v3 =	vor.u32 v3, v4  }
0x25: {  	v4 =	vperm.xlane v3, v0;
	_ =	sdelay $0x1  }
0x26: {  	v3 =	vperm.xlane v3, v2;
	v4 =	vadd.s32 v1, v4;
	_ =	sdelay $0x1  }
0x27: {  	s18 =	sand.u32 $0x1, s14;
	v3 =	vadd.s32 v1, v3  }
0x28: {  	s20 =	sshll.u32 s18, $0xF  }
0x29: {  	s19 =	sor.u32 $0x100, s20  }
0x2a: {  	[tilespmem:s19], [sflag:$0x5] =	stream.indirect_vreg.gather [hbm4b:s1+s3], $0x80, v4, vm0, $0x2000b8;
	[tilespmem:$0x10100] =	vst v63  }
0x2b: {  	s22 =	sor.u32 $0x900, s20  }
0x2c: {  	[tilespmem:s22], [sflag:$0x5] =	stream.indirect_vreg.gather [hbm4b:s1+s3], $0x80, v3, vm0, $0x2000b8;
	[tilespmem:$0x10100] =	vst v63  }
0x2d: {  	v3 =	vld [tilespmem:s21+$0x10];
	_ =	sdelay $0x4  }
0x2e: {  	v57 =	vshll.u32 v3, $0x1  }
0x2f: {  	v3 =	vand.u32 $0x7, v3;
	v4 =	vand.u32 $0xFFFFFFF0, v57  }
0x30: {  	v3 =	vor.u32 v3, v4  }
0x31: {  	v4 =	vperm.xlane v3, v0;
	_ =	sdelay $0x1  }
0x32: {  	v3 =	vperm.xlane v3, v2;
	v4 =	vadd.s32 v1, v4;
	_ =	sdelay $0x1  }
0x33: {  	v3 =	vadd.s32 v1, v3;
	_ =	sdelay $0x1  }
0x34: {  	s26 =	sor.u32 $0x1100, s20  }
0x35: {  	[tilespmem:s26], [sflag:$0x5] =	stream.indirect_vreg.gather [hbm4b:s1+s3], $0x80, v4, vm0, $0x2000b8;
	[tilespmem:$0x10100] =	vst v63  }
0x36: {  	s28 =	sor.u32 $0x1900, s20  }
0x37: {  	[tilespmem:s28], [sflag:$0x5] =	stream.indirect_vreg.gather [hbm4b:s1+s3], $0x80, v3, vm0, $0x2000b8;
	[tilespmem:$0x10100] =	vst v63  }
0x38: {  	v3 =	vld [tilespmem:s21+$0x20];
	_ =	sdelay $0x4  }
0x39: {  	v58 =	vshll.u32 v3, $0x1  }
0x3a: {  	v3 =	vand.u32 $0x7, v3;
	v4 =	vand.u32 $0xFFFFFFF0, v58  }
0x3b: {  	v3 =	vor.u32 v3, v4  }
0x3c: {  	v4 =	vperm.xlane v3, v0;
	_ =	sdelay $0x1  }
0x3d: {  	v3 =	vperm.xlane v3, v2;
	v4 =	vadd.s32 v1, v4;
	_ =	sdelay $0x1  }
0x3e: {  	v3 =	vadd.s32 v1, v3;
	_ =	sdelay $0x1  }
0x3f: {  	s29 =	sor.u32 $0x2100, s20  }
0x40: {  	[tilespmem:s29], [sflag:$0x5] =	stream.indirect_vreg.gather [hbm4b:s1+s3], $0x80, v4, vm0, $0x2000b8;
	[tilespmem:$0x10100] =	vst v63  }
0x41: {  	s30 =	sor.u32 $0x2900, s20  }
0x42: {  	[tilespmem:s30], [sflag:$0x5] =	stream.indirect_vreg.gather [hbm4b:s1+s3], $0x80, v3, vm0, $0x2000b8;
	[tilespmem:$0x10100] =	vst v63  }
0x43: {  	v3 =	vld [tilespmem:s21+$0x30];
	_ =	sdelay $0x4  }
0x44: {  	v59 =	vshll.u32 v3, $0x1  }
0x45: {  	v3 =	vand.u32 $0x7, v3;
	v4 =	vand.u32 $0xFFFFFFF0, v59  }
0x46: {  	v3 =	vor.u32 v3, v4  }
0x47: {  	v4 =	vperm.xlane v3, v0;
	_ =	sdelay $0x1  }
0x48: {  	v3 =	vperm.xlane v3, v2;
	v4 =	vadd.s32 v1, v4;
	_ =	sdelay $0x1  }
0x49: {  	v3 =	vadd.s32 v1, v3;
	_ =	sdelay $0x1  }
0x4a: {  	s31 =	sor.u32 $0x3100, s20  }
0x4b: {  	[tilespmem:s31], [sflag:$0x5] =	stream.indirect_vreg.gather [hbm4b:s1+s3], $0x80, v4, vm0, $0x2000b8;
	[tilespmem:$0x10100] =	vst v63  }
0x4c: {  	s23 =	sor.u32 $0x3900, s20  }
0x4d: {  	[tilespmem:s23], [sflag:$0x5] =	stream.indirect_vreg.gather [hbm4b:s1+s3], $0x80, v3, vm0, $0x2000b8;
	[tilespmem:$0x10100] =	vst v63  }
0x4e: {  	v3 =	vld [tilespmem:s21+$0x40];
	_ =	sdelay $0x4  }
0x4f: {  	v60 =	vshll.u32 v3, $0x1  }
0x50: {  	v3 =	vand.u32 $0x7, v3;
	v4 =	vand.u32 $0xFFFFFFF0, v60  }
0x51: {  	v3 =	vor.u32 v3, v4  }
0x52: {  	v4 =	vperm.xlane v3, v0;
	_ =	sdelay $0x1  }
0x53: {  	v3 =	vperm.xlane v3, v2;
	v4 =	vadd.s32 v1, v4;
	_ =	sdelay $0x1  }
0x54: {  	v3 =	vadd.s32 v1, v3;
	_ =	sdelay $0x1  }
0x55: {  	s24 =	sor.u32 $0x4100, s20  }
0x56: {  	[tilespmem:s24], [sflag:$0x5] =	stream.indirect_vreg.gather [hbm4b:s1+s3], $0x80, v4, vm0, $0x2000b8;
	[tilespmem:$0x10100] =	vst v63  }
0x57: {  	s25 =	sor.u32 $0x4900, s20  }
0x58: {  	[tilespmem:s25], [sflag:$0x5] =	stream.indirect_vreg.gather [hbm4b:s1+s3], $0x80, v3, vm0, $0x2000b8;
	[tilespmem:$0x10100] =	vst v63  }
0x59: {  	v3 =	vld [tilespmem:s21+$0x50];
	_ =	sdelay $0x4  }
0x5a: {  	v61 =	vshll.u32 v3, $0x1  }
0x5b: {  	v3 =	vand.u32 $0x7, v3;
	v4 =	vand.u32 $0xFFFFFFF0, v61  }
0x5c: {  	v3 =	vor.u32 v3, v4  }
0x5d: {  	v4 =	vperm.xlane v3, v0;
	_ =	sdelay $0x1  }
0x5e: {  	v3 =	vperm.xlane v3, v2;
	v4 =	vadd.s32 v1, v4;
	_ =	sdelay $0x1  }
0x5f: {  	v3 =	vadd.s32 v1, v3;
	_ =	sdelay $0x1  }
0x60: {  	s26 =	sor.u32 $0x5100, s20  }
0x61: {  	[tilespmem:s26], [sflag:$0x5] =	stream.indirect_vreg.gather [hbm4b:s1+s3], $0x80, v4, vm0, $0x2000b8;
	[tilespmem:$0x10100] =	vst v63  }
0x62: {  	s28 =	sor.u32 $0x5900, s20  }
0x63: {  	[tilespmem:s28], [sflag:$0x5] =	stream.indirect_vreg.gather [hbm4b:s1+s3], $0x80, v3, vm0, $0x2000b8;
	[tilespmem:$0x10100] =	vst v63  }
0x64: {  	v3 =	vld [tilespmem:s21+$0x60];
	_ =	sdelay $0x4  }
0x65: {  	v62 =	vshll.u32 v3, $0x1  }
0x66: {  	v3 =	vand.u32 $0x7, v3;
	v4 =	vand.u32 $0xFFFFFFF0, v62  }
0x67: {  	v3 =	vor.u32 v3, v4  }
0x68: {  	v4 =	vperm.xlane v3, v0;
	_ =	sdelay $0x1  }
0x69: {  	v3 =	vperm.xlane v3, v2;
	v4 =	vadd.s32 v1, v4;
	_ =	sdelay $0x1  }
0x6a: {  	v3 =	vadd.s32 v1, v3;
	_ =	sdelay $0x1  }
0x6b: {  	s29 =	sor.u32 $0x6100, s20  }
0x6c: {  	[tilespmem:s29], [sflag:$0x5] =	stream.indirect_vreg.gather [hbm4b:s1+s3], $0x80, v4, vm0, $0x2000b8;
	[tilespmem:$0x10100] =	vst v63  }
0x6d: {  	s30 =	sor.u32 $0x6900, s20  }
0x6e: {  	[tilespmem:s30], [sflag:$0x5] =	stream.indirect_vreg.gather [hbm4b:s1+s3], $0x80, v3, vm0, $0x2000b8;
	[tilespmem:$0x10100] =	vst v63  }
0x6f: {  	v3 =	vld [tilespmem:s21+$0x70];
	_ =	sdelay $0x4  }
0x70: {  	v63 =	vshll.u32 v3, $0x1  }
0x71: {  	v3 =	vand.u32 $0x7, v3;
	v4 =	vand.u32 $0xFFFFFFF0, v63  }
0x72: {  	v3 =	vor.u32 v3, v4  }
0x73: {  	v4 =	vperm.xlane v3, v0;
	_ =	sdelay $0x1  }
0x74: {  	v3 =	vperm.xlane v3, v2;
	v4 =	vadd.s32 v1, v4;
	_ =	sdelay $0x1  }
0x75: {  	v3 =	vadd.s32 v1, v3;
	_ =	sdelay $0x1  }
0x76: {  	s31 =	sor.u32 $0x7100, s20  }
0x77: {  	[tilespmem:s31], [sflag:$0x5] =	stream.indirect_vreg.gather [hbm4b:s1+s3], $0x80, v4, vm0, $0x2000b8;
	[tilespmem:$0x10100] =	vst v63  }
0x78: {  	s20 =	sor.u32 $0x7900, s20  }
0x79: {  	[tilespmem:s20], [sflag:$0x5] =	stream.indirect_vreg.gather [hbm4b:s1+s3], $0x80, v3, vm0, $0x2000b8;
	[tilespmem:$0x10100] =	vst v63  }
0x7a: {  	_ =	swait.ge [sflag:s8], $0x8000  }
0x7b: {  	p2 =	seq.s32 s11, $0x1;
	[sflag:s8] =	ssyncset.done $0x0  }
0x7c: {  	s17 =	sadd.s32 s5, s17;
	p1 =	por p2, p1;
	[sflag:s8] =	ssyncadd.s32 $0xFFFF8000  }
0x7d: {  	s17 =	sshll.u32 @p1 s17, $0xC;
	_ =	strace $0x9000004B  }
0x7e: {  	s17 =	sand.u32 @p1 $0x1FFFF000, s17;
	s21 =	simm.s32 $0x1;
	_ =	strace @p1 $0x8000004C  }
0x7f: {  	s18 =	sadd.s32 @p1 $0x3, s18;
	s21 =	simm.s32 @!p0 $0x0;
	s20 =	rddreg [dreg:$0x4]  }
0x80: {  	p0 =	seq.s32 s11, $0x6;
	s17 =	sadd.s32 @p1 s20, s17;
	s20 =	simm.s32 @p1 $0x0  }
0x81: {  	[hbm4b:s17+s20] =	stream.linear.scatter @p1 [tilespmem:s19], [sflag:s18], $0x8000, $0x200038;
	[tilespmem:$0x10100] =	vst v63  }
0x82: {  	s17 =	simm.s32 $0x1;
	s19 =	simm.s32 $0x1;
	_ =	strace @p1 $0x9000004C  }
0x83: {  	s17 =	simm.s32 @!p1 $0x0;
	p1 =	sne.s32 s11, $0x6;
	s11 =	sadd.s32 $0xFFFFFFFF, s11  }
0x84: {  	s18 =	sand.u32 @!p0 $0x1, s13;
	s19 =	simm.s32 @!p1 $0x0;
	p1 =	sne.s32 s11, $0x0  }
.Ltmp0:
0x85: {  	s18 =	sadd.s32 @!p0 $0x3, s18;
	_ =	strace @!p0 $0x8000004D;
	(pc) =	sbr.rel @p1 .LBB2_2-.Ltmp0, $4  }
0x86: {  	_ =	swait.ge @!p0 [sflag:s18], $0x8000  }
0x87: {  	[sflag:s18] =	ssyncset.done @!p0 $0x0  }
0x88: {  	s16 =	sadd.s32 s21, s16;
	s14 =	sadd.s32 s17, s14;
	[sflag:s18] =	ssyncadd.s32 @!p0 $0xFFFF8000  }
0x89: {  	s15 =	sadd.s32 s17, s15;
	s13 =	sadd.s32 s19, s13;
	_ =	strace @!p0 $0x9000004D  }
0x8a: {  	s10 =	sadd.s32 $0x1, s10  }
0x8b: {  	p0 =	sne.s32 s10, s7  }
.Ltmp1:
0x8c: {  	_ =	strace $0x8000004E;
	(pc) =	sbr.rel @p0 .LBB2_1-.Ltmp1, $4  }
0x8d: {  	_ =	swait.ge [sflag:s9], $0x8000  }
0x8e: {  	[sflag:s9] =	ssyncset.done $0x0  }
0x8f: {  	[sflag:s9] =	ssyncadd.s32 $0xFFFF8000  }
0x90: {  	_ =	strace $0x9000004E  }
0x91: {  	_ =	sfence.sel $0x180000  }
0x92: {  	[bflag:$0x0] =	sbarrier.arrive $0xFFFF  }
0x93: {  	p0 =	sne.s32 s4, $0x0;
	_ =	strace $0x90000047  }
0x94: {  	s0 =	sadd.s32 @!p0 $0x100000, s0;
	[bflag:$0x2] =	sbarrier.arrive $0xFFFF  }
0x95: {  	[sflag:s0] =	ssyncadd.tile.s32 @!p0 $0x1;
	_ =	shalt  }
.Lfunc_end2:
_tile_overlayer_lowered:
.L_overlay_start_2:
0x96: {  	(tag) =	ssettag $0x2  }
0x97: {  	s0 =	rddreg [dreg:$0x0];
	s2 =	stileid.u32  }
0x98: {  	s1 =	rddreg [dreg:$0x1];
	p0 =	sne.s32 s2, $0x0  }
0x99: {  	s3 =	rddreg [dreg:$0x2];
	[bflag:$0x3] =	sbarrier.arrive $0xFFFF;
	s2 =	simm.s32 @!p0 $0x1C01  }
0x9a: {  	[timem:s3], [sflag:s2] =	dma.local @!p0 [hbm:s0], s1  }
0x9b: {  	s0 =	simm.s32 @!p0 $0x1  }
0x9c: {  	_ =	swait.ge @!p0 [sflag:s0], s1  }
0x9d: {  	s1 =	ssub.s32 @!p0 $0x0, s1;
	[sflag:s0] =	ssyncset.done @!p0 $0x0  }
0x9e: {  	[sflag:s0] =	ssyncadd.s32 @!p0 s1  }
0x9f: {  	[bflag:$0x3] =	sbarrier.arrive $0xFFFF  }
0xa0: {  	_ =	shalt  }

</sc_bundles>
